<compile_context>
chip_gen: v7x
topology: tpu7x:2x2x1
jax: 0.10.2.dev20260603
libtpu: 0.0.44.dev20260713+nightly
codegen_flags: <defaults>
</compile_context>

<pallas_src>
import functools

import jax
import jax.numpy as jnp
import numpy as np
from jax import lax
from jax.experimental import pallas as pl
from jax.experimental.pallas import tpu as pltpu
from jax.experimental.pallas import tpu_sc as plsc

N = 10000
E = 160000
MSG = 32
H = 8
QD = MSG * H
SRCW = QD + MSG
HALF = 144

NC = 2
NS = 16
NW = NC * NS

EB = 2000
NBLK = 1000
NACC = 10240

GCHUNK = 128
NGCH = E // GCHUNK
SCHUNK = 80
NSCH_PER_SUB = E // (NS * SCHUNK)

_f32 = jnp.float32


def _k1_body(node_ref, wqs_ref, wd_ref, tsrc_ref, tdst_ref):
    x = node_ref[...]
    mu = jnp.mean(x, axis=1, keepdims=True)
    xc = x - mu
    var = jnp.mean(xc * xc, axis=1, keepdims=True)
    nn = xc * lax.rsqrt(var + 1e-5)
    tsrc_ref[...] = jnp.dot(nn, wqs_ref[...], preferred_element_type=_f32)
    tdst_ref[...] = jnp.dot(nn, wd_ref[...], preferred_element_type=_f32)


def _k2_body(rbf_ref, rsh_ref, gsrc_ref, gdst_ref, a16_ref, b8_ref, wrbf2_ref,
             wkvk_ref, shead_ref, coup_ref, logit_ref, gmax_ref):
    i = pl.program_id(0)
    rep = jnp.dot(rbf_ref[...], a16_ref[...], preferred_element_type=_f32)
    til = jnp.dot(rsh_ref[...], b8_ref[...], preferred_element_type=_f32)
    cpre = jnp.dot(rep * til, wrbf2_ref[...], preferred_element_type=_f32)
    gsrc = gsrc_ref[...]
    q = gsrc[:, :QD]
    s = gsrc[:, QD:SRCW]
    x1 = s + gdst_ref[...]
    coup = x1 * cpre * np.float32(1.0 / np.sqrt(8.0))
    coup_ref[...] = coup
    key = jnp.dot(coup, wkvk_ref[...], preferred_element_type=_f32)
    logits = jnp.dot(q * key, shead_ref[...], preferred_element_type=_f32)
    logits = logits * np.float32(1.0 / np.sqrt(32.0))
    logit_ref[...] = logits
    m = jnp.max(logits, axis=0, keepdims=True)

    @pl.when(i == 0)
    def _():
        gmax_ref[...] = m

    @pl.when(i != 0)
    def _():
        gmax_ref[...] = jnp.maximum(gmax_ref[...], m)


def _k3_body(coup_ref, logit_ref, gmax_ref, wkvv_ref, bhead_ref, contrib_ref):
    ex = jnp.exp(logit_ref[...] - gmax_ref[...])
    val = jnp.dot(coup_ref[...], wkvv_ref[...], preferred_element_type=_f32)
    wv = jnp.dot(ex, bhead_ref[...], preferred_element_type=_f32) * val
    zero = jnp.zeros((wv.shape[0], 12), _f32)
    contrib_ref[0] = jnp.concatenate([wv[:, :128], ex[:, :4], zero], axis=1)
    contrib_ref[1] = jnp.concatenate([wv[:, 128:], ex[:, 4:], zero], axis=1)


def _k4_body(acc_ref, node_ref, wmsg_ref, bhead_ref, out_ref):
    a = acc_ref[0]
    b = acc_ref[1]
    numer = jnp.concatenate([a[:, :128], b[:, :128]], axis=1)
    den8 = jnp.concatenate([a[:, 128:132], b[:, 128:132]], axis=1)
    d256 = jnp.dot(den8, bhead_ref[...], preferred_element_type=_f32) + 1e-16
    msg = jnp.dot(numer / d256, wmsg_ref[...], preferred_element_type=_f32)
    out_ref[...] = node_ref[...] + msg


def _s1_body(tsrc, tdst, sidx, didx, gsrc, gdst, idx1, idx2, rows_s, rows_d):
    wid = lax.axis_index("s") * NC + lax.axis_index("c")

    @pl.loop(0, 40)
    def _(k):
        cid = wid + k * NW

        @pl.when(cid < NGCH)
        def _():
            off = cid * GCHUNK
            pltpu.sync_copy(sidx.at[pl.ds(off, GCHUNK)], idx1)
            pltpu.sync_copy(tsrc.at[idx1], rows_s)
            pltpu.sync_copy(rows_s, gsrc.at[pl.ds(off, GCHUNK)])
            pltpu.sync_copy(didx.at[pl.ds(off, GCHUNK)], idx2)
            pltpu.sync_copy(tdst.at[idx2], rows_d)
            pltpu.sync_copy(rows_d, gdst.at[pl.ds(off, GCHUNK)])


def _s2_body(contrib, didx, out, acc, idxv, rowsv):
    c = lax.axis_index("c")
    t = lax.axis_index("s")

    @pl.loop(0, SCHUNK)
    def _(r):
        @pl.loop(0, HALF // 16)
        def _(j):
            rowsv[r, pl.ds(j * 16, 16)] = jnp.zeros((16,), _f32)

    @pl.loop(0, 640 // SCHUNK)
    def _(z):
        pltpu.sync_copy(rowsv, acc.at[pl.ds(t * 640 + z * SCHUNK, SCHUNK)])

    plsc.subcore_barrier()

    base = t * (E // NS)

    @pl.loop(0, NSCH_PER_SUB)
    def _(k):
        off = base + k * SCHUNK
        pltpu.sync_copy(didx.at[pl.ds(off, SCHUNK)], idxv)
        pltpu.sync_copy(contrib.at[c, pl.ds(off, SCHUNK)], rowsv)
        pltpu.sync_copy(rowsv, acc.at[idxv], add=True)

    plsc.subcore_barrier()
    pltpu.sync_copy(acc.at[pl.ds(t * 640, 640)], out.at[c, pl.ds(t * 640, 640)])


def _constants():
    A16 = np.zeros((16, 128), np.float32)
    B8 = np.zeros((8, 128), np.float32)
    for i in range(16):
        for j in range(8):
            A16[i, i * 8 + j] = 1.0
            B8[j, i * 8 + j] = 1.0
    Shead = np.zeros((256, 8), np.float32)
    for h in range(8):
        Shead[h * 32:(h + 1) * 32, h] = 1.0
    return jnp.asarray(A16), jnp.asarray(B8), jnp.asarray(Shead), jnp.asarray(Shead.T)


_SC_MESH = plsc.VectorSubcoreMesh(core_axis_name="c", subcore_axis_name="s")
_SC_PARAMS = pltpu.CompilerParams(use_tc_tiling_on_sc=False)

_s1_call = functools.partial(
    pl.kernel,
    mesh=_SC_MESH,
    compiler_params=_SC_PARAMS,
    out_type=[jax.ShapeDtypeStruct((E, SRCW), _f32),
              jax.ShapeDtypeStruct((E, MSG), _f32)],
    scratch_types=[pltpu.VMEM((GCHUNK,), jnp.int32),
                   pltpu.VMEM((GCHUNK,), jnp.int32),
                   pltpu.VMEM((GCHUNK, SRCW), _f32),
                   pltpu.VMEM((GCHUNK, MSG), _f32)],
)(_s1_body)

_s2_call = functools.partial(
    pl.kernel,
    mesh=_SC_MESH,
    compiler_params=_SC_PARAMS,
    out_type=jax.ShapeDtypeStruct((NC, NACC, HALF), _f32),
    scratch_types=[pltpu.VMEM_SHARED((NACC, HALF), _f32),
                   pltpu.VMEM((SCHUNK,), jnp.int32),
                   pltpu.VMEM((SCHUNK, HALF), _f32)],
)(_s2_body)


def kernel(node, rbf, rsh, edge_index, Wq, Wsrc, Wdst, Wrbf, Wkv, Wmsg):
    a16, b8, shead, bhead = _constants()
    wqs = jnp.concatenate([Wq, Wsrc], axis=1)
    wrbf2 = Wrbf.reshape(16, MSG, 8).transpose(0, 2, 1).reshape(128, MSG)
    wkvk = Wkv[:, :QD]
    wkvv = Wkv[:, QD:]
    src_idx = edge_index[0]
    dst_idx = edge_index[1]

    tsrc, tdst = pl.pallas_call(
        _k1_body,
        grid=(N // NBLK,),
        in_specs=[pl.BlockSpec((NBLK, 128), lambda i: (i, 0)),
                  pl.BlockSpec((128, SRCW), lambda i: (0, 0)),
                  pl.BlockSpec((128, MSG), lambda i: (0, 0))],
        out_specs=[pl.BlockSpec((NBLK, SRCW), lambda i: (i, 0)),
                   pl.BlockSpec((NBLK, MSG), lambda i: (i, 0))],
        out_shape=[jax.ShapeDtypeStruct((N, SRCW), _f32),
                   jax.ShapeDtypeStruct((N, MSG), _f32)],
    )(node, wqs, Wdst)

    gsrc, gdst = _s1_call(tsrc, tdst, src_idx, dst_idx)

    coup, logits, gmax = pl.pallas_call(
        _k2_body,
        grid=(E // EB,),
        in_specs=[pl.BlockSpec((EB, 16), lambda i: (i, 0)),
                  pl.BlockSpec((EB, 8), lambda i: (i, 0)),
                  pl.BlockSpec((EB, SRCW), lambda i: (i, 0)),
                  pl.BlockSpec((EB, MSG), lambda i: (i, 0)),
                  pl.BlockSpec((16, 128), lambda i: (0, 0)),
                  pl.BlockSpec((8, 128), lambda i: (0, 0)),
                  pl.BlockSpec((128, MSG), lambda i: (0, 0)),
                  pl.BlockSpec((MSG, QD), lambda i: (0, 0)),
                  pl.BlockSpec((QD, 8), lambda i: (0, 0))],
        out_specs=[pl.BlockSpec((EB, MSG), lambda i: (i, 0)),
                   pl.BlockSpec((EB, 8), lambda i: (i, 0)),
                   pl.BlockSpec((1, 8), lambda i: (0, 0))],
        out_shape=[jax.ShapeDtypeStruct((E, MSG), _f32),
                   jax.ShapeDtypeStruct((E, 8), _f32),
                   jax.ShapeDtypeStruct((1, 8), _f32)],
    )(rbf, rsh, gsrc, gdst, a16, b8, wrbf2, wkvk, shead)

    contrib = pl.pallas_call(
        _k3_body,
        grid=(E // EB,),
        in_specs=[pl.BlockSpec((EB, MSG), lambda i: (i, 0)),
                  pl.BlockSpec((EB, 8), lambda i: (i, 0)),
                  pl.BlockSpec((1, 8), lambda i: (0, 0)),
                  pl.BlockSpec((MSG, QD), lambda i: (0, 0)),
                  pl.BlockSpec((8, QD), lambda i: (0, 0))],
        out_specs=pl.BlockSpec((2, EB, HALF), lambda i: (0, i, 0)),
        out_shape=jax.ShapeDtypeStruct((2, E, HALF), _f32),
    )(coup, logits, gmax, wkvv, bhead)

    acc = _s2_call(contrib, dst_idx)

    out = pl.pallas_call(
        _k4_body,
        grid=(N // NBLK,),
        in_specs=[pl.BlockSpec((2, NBLK, HALF), lambda i: (0, i, 0)),
                  pl.BlockSpec((NBLK, 128), lambda i: (i, 0)),
                  pl.BlockSpec((QD, 128), lambda i: (0, 0)),
                  pl.BlockSpec((8, QD), lambda i: (0, 0))],
        out_specs=pl.BlockSpec((NBLK, 128), lambda i: (i, 0)),
        out_shape=jax.ShapeDtypeStruct((N, 128), _f32),
    )(acc, node, Wmsg, bhead)

    return out

# --- scband reference (transcript-rebuilt; emitter-appended) ---
"""Pipeline reference for scband-trans-phormer-72808285602170 (READ-ONLY COPY).

The authoritative reference and input builder live on the scoring server;
editing this copy changes nothing except your own understanding.
"""

import jax, jax.numpy as jnp
import numpy as np

N = 10000      # nodes
E = 160000     # edges
NDIM = 128     # node irreps dim (128x0e)
EDIM = 8       # edge irreps dim (8x0e)
NB = 16        # radial basis size
MSG = 32       # msg irreps dim (32x0e)
H = 8          # attention heads


def setup_inputs(seed: int = 0) -> dict:
    key = jax.random.key(seed)
    ks = jax.random.split(key, 10)
    node = jax.random.normal(ks[0], (N, NDIM), dtype=jnp.float32)
    rbf = jax.random.uniform(ks[1], (E, NB), dtype=jnp.float32)
    rsh = jax.random.normal(ks[2], (E, EDIM), dtype=jnp.float32)
    edge_index = jax.random.randint(ks[3], (2, E), 0, N, dtype=jnp.int32)
    # learned parameters (e3nn-style fan-in normalization, no biases)
    Wq = jax.random.normal(ks[4], (NDIM, MSG * H), dtype=jnp.float32) / np.sqrt(NDIM)
    Wsrc = jax.random.normal(ks[5], (NDIM, MSG), dtype=jnp.float32) / np.sqrt(NDIM)
    Wdst = jax.random.normal(ks[6], (NDIM, MSG), dtype=jnp.float32) / np.sqrt(NDIM)
    Wrbf = jax.random.normal(ks[7], (NB, MSG * EDIM), dtype=jnp.float32) / np.sqrt(NB)
    Wkv = jax.random.normal(ks[8], (MSG, MSG * H * 2), dtype=jnp.float32) / np.sqrt(MSG)
    Wmsg = jax.random.normal(ks[9], (MSG * H, NDIM), dtype=jnp.float32) / np.sqrt(MSG * H)
    return {"node": node, "rbf": rbf, "rsh": rsh, "edge_index": edge_index,
            "Wq": Wq, "Wsrc": Wsrc, "Wdst": Wdst, "Wrbf": Wrbf, "Wkv": Wkv, "Wmsg": Wmsg}


def reference(node, rbf, rsh, edge_index, Wq, Wsrc, Wdst, Wrbf, Wkv, Wmsg):
    n = node.shape[0]
    e = edge_index.shape[1]
    scale = 1.0 / jnp.sqrt(jnp.float32(MSG))  # 1/sqrt(num_irreps of msg)
    src_idx = edge_index[0]
    dst_idx = edge_index[1]
    # equivariant layer norm (scalar-only irreps -> standard LN, no affine)
    mu = node.mean(axis=-1, keepdims=True)
    var = node.var(axis=-1, keepdims=True)
    node_norm = (node - mu) / jnp.sqrt(var + 1e-5)
    # query per node, per head
    query = (node_norm @ Wq).reshape(n, H, MSG)
    # src/dst projections gathered on edges
    src = (node_norm @ Wsrc)[src_idx]
    dst = (node_norm @ Wdst)[dst_idx]
    x1 = src + dst  # [E, MSG]
    # CG coupling: channel-wise (uvu) tensor product of scalars, per-edge weights from rbf
    tp_w = (rbf @ Wrbf).reshape(e, MSG, EDIM)
    coupled = jnp.einsum('euv,eu,ev->eu', tp_w, x1, rsh) / jnp.sqrt(jnp.float32(EDIM))
    # key/value per edge per head
    kv = (coupled @ Wkv).reshape(e, 2 * H, MSG)
    key_t = kv[:, :H, :]
    value = kv[:, H:, :]
    proj = jnp.sum(query[src_idx] * key_t, axis=-1, keepdims=True)  # [E, H, 1]
    logits = proj * scale
    # segment softmax over destination nodes
    seg_max = jax.ops.segment_max(logits, dst_idx, num_segments=n)
    seg_max = jnp.where(jnp.isfinite(seg_max), seg_max, 0.0)
    ex = jnp.exp(logits - seg_max[dst_idx])
    denom = jax.ops.segment_sum(ex, dst_idx, num_segments=n)
    attn = ex / (denom[dst_idx] + 1e-16)
    # weighted scatter-add of values to destination nodes
    message = jax.ops.segment_sum(attn * value, dst_idx, num_segments=n)
    message = message.reshape(n, H * MSG) @ Wmsg
    return node + message

if __name__ == "__main__":
    import jax
    _d = setup_inputs()
    print(jax.jit(kernel)(*tuple(_d.values())))

</pallas_src>

<mosaic_0001>
#map = affine_map<(d0, d1) -> (0, 0)>
#map1 = affine_map<(d0, d1) -> (0)>
module attributes {stable_mosaic.version = 14 : i64} {
  func.func @_s1_body(%arg0: i32, %arg1: i32, %arg2: memref<10000x288xf32, #tpu.memory_space<hbm>>, %arg3: memref<10000x32xf32, #tpu.memory_space<hbm>>, %arg4: memref<160000xi32, #tpu.memory_space<hbm>>, %arg5: memref<160000xi32, #tpu.memory_space<hbm>>, %arg6: memref<160000x288xf32, #tpu.memory_space<hbm>>, %arg7: memref<160000x32xf32, #tpu.memory_space<hbm>>, %arg8: memref<128xi32, #tpu.memory_space<vmem>>, %arg9: memref<128xi32, #tpu.memory_space<vmem>>, %arg10: memref<128x288xf32, #tpu.memory_space<vmem>>, %arg11: memref<128x32xf32, #tpu.memory_space<vmem>>) attributes {dimension_semantics = [#tpu.dimension_semantics<core_parallel>, #tpu.dimension_semantics<subcore_parallel>], iteration_bounds = array<i64: 2, 16>, scalar_prefetch = 0 : i64, scratch_operands = 4 : i64, tpu.core_type = #tpu.core_type<sc_vector_subcore>, window_params = [{transform_indices = #map}, {transform_indices = #map}, {transform_indices = #map1}, {transform_indices = #map1}, {transform_indices = #map}, {transform_indices = #map}]} {
    %mul3A = arith.constant 2 : i32
    %mul3A_0 = arith.muli %arg1, %mul3A : i32
    %add3A = arith.addi %mul3A_0, %arg0 : i32
    %scan3A = arith.constant 0 : i32
    %scan3A_1 = arith.constant 40 : i32
    %scan3A_2 = arith.addi %scan3A, %scan3A_1 : i32
    %scan3A_3 = arith.constant 1 : i32
    scf.for %scan3A_5 = %scan3A to %scan3A_2 step %scan3A_3  : i32 {
      %mul3A_6 = arith.constant 1 : i32
      %mul3A_7 = arith.muli %scan3A_5, %mul3A_6 : i32
      %add3A_8 = arith.constant 0 : i32
      %add3A_9 = arith.addi %add3A_8, %mul3A_7 : i32
      %mul3A_10 = arith.constant 32 : i32
      %mul3A_11 = arith.muli %add3A_9, %mul3A_10 : i32
      %add3A_12 = arith.addi %add3A, %mul3A_11 : i32
      %lt3A = arith.constant 1250 : i32
      %lt3A_13 = arith.cmpi slt, %add3A_12, %lt3A : i32
      %convert_element_type3A = arith.extui %lt3A_13 : i1 to i32
      %cond3A = arith.constant 0 : i32
      %cond3A_14 = arith.cmpi ne, %convert_element_type3A, %cond3A : i32
      scf.if %cond3A_14 {
        %mul3A_15 = arith.constant 128 : i32
        %mul3A_16 = arith.muli %add3A_12, %mul3A_15 : i32
        "tpu.region"() ({
          %run_scoped3A = tpu.sem_alloc : memref<!tpu.dma_semaphore, #tpu.memory_space<semaphore_mem>>
          %dma_start3A = tpu.memref_slice %arg4[%mul3A_16] : memref<160000xi32, #tpu.memory_space<hbm>> -> memref<128xi32, #tpu.memory_space<hbm>>
          %dma_start3A_17 = tpu.memref_slice %arg4[%mul3A_16] : memref<160000xi32, #tpu.memory_space<hbm>> -> memref<128xi32, #tpu.memory_space<hbm>>
          tpu.enqueue_dma source(%dma_start3A_17 : memref<128xi32, #tpu.memory_space<hbm>>) target(%arg8 : memref<128xi32, #tpu.memory_space<vmem>>) target_semaphore(%run_scoped3A : memref<!tpu.dma_semaphore, #tpu.memory_space<semaphore_mem>>)
          %dma_wait3A = tpu.memref_slice %arg4[%mul3A_16] : memref<160000xi32, #tpu.memory_space<hbm>> -> memref<128xi32, #tpu.memory_space<hbm>>
          %dma_wait3A_18 = tpu.memref_slice %arg4[%mul3A_16] : memref<160000xi32, #tpu.memory_space<hbm>> -> memref<128xi32, #tpu.memory_space<hbm>>
          tpu.wait_dma2 semaphore(%run_scoped3A : memref<!tpu.dma_semaphore, #tpu.memory_space<semaphore_mem>>) src(%dma_wait3A_18 : memref<128xi32, #tpu.memory_space<hbm>>) dst(%arg8 : memref<128xi32, #tpu.memory_space<vmem>>)
          tpu.yield
        }) : () -> ()
        "tpu.region"() ({
          %run_scoped3A = tpu.sem_alloc : memref<!tpu.dma_semaphore, #tpu.memory_space<semaphore_mem>>
          %dma_start3A = arith.constant 0 : i32
          %dma_start3A_17 = arith.constant 0 : i32
          %dma_start3A_18 = tpu.memref_slice %arg2[%dma_start3A, %dma_start3A_17] : memref<10000x288xf32, #tpu.memory_space<hbm>> -> memref<10000x288xf32, #tpu.memory_space<hbm>>
          tpu.enqueue_indirect_dma source(%dma_start3A_18 : memref<10000x288xf32, #tpu.memory_space<hbm>>) target(%arg10 : memref<128x288xf32, #tpu.memory_space<vmem>>) offsets(%arg8 : memref<128xi32, #tpu.memory_space<vmem>>) semaphore(%run_scoped3A : memref<!tpu.dma_semaphore, #tpu.memory_space<semaphore_mem>>)
          %dma_wait3A = arith.constant 0 : i32
          %dma_wait3A_19 = arith.constant 0 : i32
          %dma_wait3A_20 = tpu.memref_slice %arg2[%dma_wait3A, %dma_wait3A_19] : memref<10000x288xf32, #tpu.memory_space<hbm>> -> memref<10000x288xf32, #tpu.memory_space<hbm>>
          tpu.wait_indirect_dma semaphore(%run_scoped3A : memref<!tpu.dma_semaphore, #tpu.memory_space<semaphore_mem>>) src(%dma_wait3A_20 : memref<10000x288xf32, #tpu.memory_space<hbm>>) dst(%arg10 : memref<128x288xf32, #tpu.memory_space<vmem>>)
          tpu.yield
        }) : () -> ()
        "tpu.region"() ({
          %run_scoped3A = tpu.sem_alloc : memref<!tpu.dma_semaphore, #tpu.memory_space<semaphore_mem>>
          %dma_start3A = arith.constant 0 : i32
          %dma_start3A_17 = tpu.memref_slice %arg6[%mul3A_16, %dma_start3A] : memref<160000x288xf32, #tpu.memory_space<hbm>> -> memref<128x288xf32, #tpu.memory_space<hbm>>
          %dma_start3A_18 = arith.constant 0 : i32
          %dma_start3A_19 = tpu.memref_slice %arg6[%mul3A_16, %dma_start3A_18] : memref<160000x288xf32, #tpu.memory_space<hbm>> -> memref<128x288xf32, #tpu.memory_space<hbm>>
          tpu.enqueue_dma source(%arg10 : memref<128x288xf32, #tpu.memory_space<vmem>>) target(%dma_start3A_19 : memref<128x288xf32, #tpu.memory_space<hbm>>) target_semaphore(%run_scoped3A : memref<!tpu.dma_semaphore, #tpu.memory_space<semaphore_mem>>)
          %dma_wait3A = arith.constant 0 : i32
          %dma_wait3A_20 = tpu.memref_slice %arg6[%mul3A_16, %dma_wait3A] : memref<160000x288xf32, #tpu.memory_space<hbm>> -> memref<128x288xf32, #tpu.memory_space<hbm>>
          %dma_wait3A_21 = arith.constant 0 : i32
          %dma_wait3A_22 = tpu.memref_slice %arg6[%mul3A_16, %dma_wait3A_21] : memref<160000x288xf32, #tpu.memory_space<hbm>> -> memref<128x288xf32, #tpu.memory_space<hbm>>
          tpu.wait_dma2 semaphore(%run_scoped3A : memref<!tpu.dma_semaphore, #tpu.memory_space<semaphore_mem>>) src(%arg10 : memref<128x288xf32, #tpu.memory_space<vmem>>) dst(%dma_wait3A_22 : memref<128x288xf32, #tpu.memory_space<hbm>>)
          tpu.yield
        }) : () -> ()
        "tpu.region"() ({
          %run_scoped3A = tpu.sem_alloc : memref<!tpu.dma_semaphore, #tpu.memory_space<semaphore_mem>>
          %dma_start3A = tpu.memref_slice %arg5[%mul3A_16] : memref<160000xi32, #tpu.memory_space<hbm>> -> memref<128xi32, #tpu.memory_space<hbm>>
          %dma_start3A_17 = tpu.memref_slice %arg5[%mul3A_16] : memref<160000xi32, #tpu.memory_space<hbm>> -> memref<128xi32, #tpu.memory_space<hbm>>
          tpu.enqueue_dma source(%dma_start3A_17 : memref<128xi32, #tpu.memory_space<hbm>>) target(%arg9 : memref<128xi32, #tpu.memory_space<vmem>>) target_semaphore(%run_scoped3A : memref<!tpu.dma_semaphore, #tpu.memory_space<semaphore_mem>>)
          %dma_wait3A = tpu.memref_slice %arg5[%mul3A_16] : memref<160000xi32, #tpu.memory_space<hbm>> -> memref<128xi32, #tpu.memory_space<hbm>>
          %dma_wait3A_18 = tpu.memref_slice %arg5[%mul3A_16] : memref<160000xi32, #tpu.memory_space<hbm>> -> memref<128xi32, #tpu.memory_space<hbm>>
          tpu.wait_dma2 semaphore(%run_scoped3A : memref<!tpu.dma_semaphore, #tpu.memory_space<semaphore_mem>>) src(%dma_wait3A_18 : memref<128xi32, #tpu.memory_space<hbm>>) dst(%arg9 : memref<128xi32, #tpu.memory_space<vmem>>)
          tpu.yield
        }) : () -> ()
        "tpu.region"() ({
          %run_scoped3A = tpu.sem_alloc : memref<!tpu.dma_semaphore, #tpu.memory_space<semaphore_mem>>
          %dma_start3A = arith.constant 0 : i32
          %dma_start3A_17 = arith.constant 0 : i32
          %dma_start3A_18 = tpu.memref_slice %arg3[%dma_start3A, %dma_start3A_17] : memref<10000x32xf32, #tpu.memory_space<hbm>> -> memref<10000x32xf32, #tpu.memory_space<hbm>>
          tpu.enqueue_indirect_dma source(%dma_start3A_18 : memref<10000x32xf32, #tpu.memory_space<hbm>>) target(%arg11 : memref<128x32xf32, #tpu.memory_space<vmem>>) offsets(%arg9 : memref<128xi32, #tpu.memory_space<vmem>>) semaphore(%run_scoped3A : memref<!tpu.dma_semaphore, #tpu.memory_space<semaphore_mem>>)
          %dma_wait3A = arith.constant 0 : i32
          %dma_wait3A_19 = arith.constant 0 : i32
          %dma_wait3A_20 = tpu.memref_slice %arg3[%dma_wait3A, %dma_wait3A_19] : memref<10000x32xf32, #tpu.memory_space<hbm>> -> memref<10000x32xf32, #tpu.memory_space<hbm>>
          tpu.wait_indirect_dma semaphore(%run_scoped3A : memref<!tpu.dma_semaphore, #tpu.memory_space<semaphore_mem>>) src(%dma_wait3A_20 : memref<10000x32xf32, #tpu.memory_space<hbm>>) dst(%arg11 : memref<128x32xf32, #tpu.memory_space<vmem>>)
          tpu.yield
        }) : () -> ()
        "tpu.region"() ({
          %run_scoped3A = tpu.sem_alloc : memref<!tpu.dma_semaphore, #tpu.memory_space<semaphore_mem>>
          %dma_start3A = arith.constant 0 : i32
          %dma_start3A_17 = tpu.memref_slice %arg7[%mul3A_16, %dma_start3A] : memref<160000x32xf32, #tpu.memory_space<hbm>> -> memref<128x32xf32, #tpu.memory_space<hbm>>
          %dma_start3A_18 = arith.constant 0 : i32
          %dma_start3A_19 = tpu.memref_slice %arg7[%mul3A_16, %dma_start3A_18] : memref<160000x32xf32, #tpu.memory_space<hbm>> -> memref<128x32xf32, #tpu.memory_space<hbm>>
          tpu.enqueue_dma source(%arg11 : memref<128x32xf32, #tpu.memory_space<vmem>>) target(%dma_start3A_19 : memref<128x32xf32, #tpu.memory_space<hbm>>) target_semaphore(%run_scoped3A : memref<!tpu.dma_semaphore, #tpu.memory_space<semaphore_mem>>)
          %dma_wait3A = arith.constant 0 : i32
          %dma_wait3A_20 = tpu.memref_slice %arg7[%mul3A_16, %dma_wait3A] : memref<160000x32xf32, #tpu.memory_space<hbm>> -> memref<128x32xf32, #tpu.memory_space<hbm>>
          %dma_wait3A_21 = arith.constant 0 : i32
          %dma_wait3A_22 = tpu.memref_slice %arg7[%mul3A_16, %dma_wait3A_21] : memref<160000x32xf32, #tpu.memory_space<hbm>> -> memref<128x32xf32, #tpu.memory_space<hbm>>
          tpu.wait_dma2 semaphore(%run_scoped3A : memref<!tpu.dma_semaphore, #tpu.memory_space<semaphore_mem>>) src(%arg11 : memref<128x32xf32, #tpu.memory_space<vmem>>) dst(%dma_wait3A_22 : memref<128x32xf32, #tpu.memory_space<hbm>>)
          tpu.yield
        }) : () -> ()
      } else {
      }
    }
    %scan3A_4 = arith.constant 40 : i32
    return
  }
}

#map = affine_map<(d0, d1) -> (0, 0, 0)>
#map1 = affine_map<(d0, d1) -> (0)>
module attributes {stable_mosaic.version = 14 : i64} {
  func.func @_s2_body(%arg0: i32, %arg1: i32, %arg2: memref<2x160000x144xf32, #tpu.memory_space<hbm>>, %arg3: memref<160000xi32, #tpu.memory_space<hbm>>, %arg4: memref<2x10240x144xf32, #tpu.memory_space<hbm>>, %arg5: memref<10240x144xf32, #tpu.memory_space<vmem_shared>>, %arg6: memref<80xi32, #tpu.memory_space<vmem>>, %arg7: memref<80x144xf32, #tpu.memory_space<vmem>>) attributes {dimension_semantics = [#tpu.dimension_semantics<core_parallel>, #tpu.dimension_semantics<subcore_parallel>], iteration_bounds = array<i64: 2, 16>, scalar_prefetch = 0 : i64, scratch_operands = 3 : i64, tpu.core_type = #tpu.core_type<sc_vector_subcore>, window_params = [{transform_indices = #map}, {transform_indices = #map1}, {transform_indices = #map}]} {
    %scan3A = arith.constant 0 : i32
    %scan3A_0 = arith.constant 80 : i32
    %scan3A_1 = arith.addi %scan3A, %scan3A_0 : i32
    %scan3A_2 = arith.constant 1 : i32
    scf.for %scan3A_20 = %scan3A to %scan3A_1 step %scan3A_2  : i32 {
      %mul3A_21 = arith.constant 1 : i32
      %mul3A_22 = arith.muli %scan3A_20, %mul3A_21 : i32
      %add3A = arith.constant 0 : i32
      %add3A_23 = arith.addi %add3A, %mul3A_22 : i32
      %scan3A_24 = arith.constant 0 : i32
      %scan3A_25 = arith.constant 9 : i32
      %scan3A_26 = arith.addi %scan3A_24, %scan3A_25 : i32
      %scan3A_27 = arith.constant 1 : i32
      scf.for %scan3A_29 = %scan3A_24 to %scan3A_26 step %scan3A_27  : i32 {
        %mul3A_30 = arith.constant 1 : i32
        %mul3A_31 = arith.muli %scan3A_29, %mul3A_30 : i32
        %add3A_32 = arith.constant 0 : i32
        %add3A_33 = arith.addi %add3A_32, %mul3A_31 : i32
        %broadcast_in_dim3A = arith.constant 0.000000e+00 : f32
        %broadcast_in_dim3A_34 = vector.broadcast %broadcast_in_dim3A : f32 to vector<16xf32>
        %mul3A_35 = arith.constant 16 : i32
        %mul3A_36 = arith.muli %add3A_33, %mul3A_35 : i32
        %swap3A = arith.index_cast %add3A_23 : i32 to index
        %swap3A_37 = arith.index_cast %mul3A_36 : i32 to index
        %swap3A_38 = tpu.vector_load %arg7[%swap3A, %swap3A_37] {strides = array<i32>} : memref<80x144xf32, #tpu.memory_space<vmem>>, vector<1x16xf32>,
        %swap3A_39 = vector.shape_cast %swap3A_38 : vector<1x16xf32> to vector<16xf32>
        %swap3A_40 = vector.shape_cast %broadcast_in_dim3A_34 : vector<16xf32> to vector<1x16xf32>
        tpu.vector_store %arg7[%swap3A, %swap3A_37], %swap3A_40 {strides = array<i32>} : memref<80x144xf32, #tpu.memory_space<vmem>>, vector<1x16xf32>,
      }
      %scan3A_28 = arith.constant 9 : i32
    }
    %scan3A_3 = arith.constant 80 : i32
    %scan3A_4 = arith.constant 0 : i32
    %scan3A_5 = arith.constant 8 : i32
    %scan3A_6 = arith.addi %scan3A_4, %scan3A_5 : i32
    %scan3A_7 = arith.constant 1 : i32
    scf.for %scan3A_20 = %scan3A_4 to %scan3A_6 step %scan3A_7  : i32 {
      %mul3A_21 = arith.constant 1 : i32
      %mul3A_22 = arith.muli %scan3A_20, %mul3A_21 : i32
      %add3A = arith.constant 0 : i32
      %add3A_23 = arith.addi %add3A, %mul3A_22 : i32
      %mul3A_24 = arith.constant 640 : i32
      %mul3A_25 = arith.muli %arg1, %mul3A_24 : i32
      %mul3A_26 = arith.constant 80 : i32
      %mul3A_27 = arith.muli %add3A_23, %mul3A_26 : i32
      %add3A_28 = arith.addi %mul3A_25, %mul3A_27 : i32
      "tpu.region"() ({
        %run_scoped3A = tpu.sem_alloc : memref<!tpu.dma_semaphore, #tpu.memory_space<semaphore_mem>>
        %dma_start3A = arith.constant 0 : i32
        %dma_start3A_29 = tpu.memref_slice %arg5[%add3A_28, %dma_start3A] : memref<10240x144xf32, #tpu.memory_space<vmem_shared>> -> memref<80x144xf32, #tpu.memory_space<vmem_shared>>
        %dma_start3A_30 = arith.constant 0 : i32
        %dma_start3A_31 = tpu.memref_slice %arg5[%add3A_28, %dma_start3A_30] : memref<10240x144xf32, #tpu.memory_space<vmem_shared>> -> memref<80x144xf32, #tpu.memory_space<vmem_shared>>
        tpu.enqueue_dma source(%arg7 : memref<80x144xf32, #tpu.memory_space<vmem>>) target(%dma_start3A_31 : memref<80x144xf32, #tpu.memory_space<vmem_shared>>) target_semaphore(%run_scoped3A : memref<!tpu.dma_semaphore, #tpu.memory_space<semaphore_mem>>)
        %dma_wait3A = arith.constant 0 : i32
        %dma_wait3A_32 = tpu.memref_slice %arg5[%add3A_28, %dma_wait3A] : memref<10240x144xf32, #tpu.memory_space<vmem_shared>> -> memref<80x144xf32, #tpu.memory_space<vmem_shared>>
        %dma_wait3A_33 = arith.constant 0 : i32
        %dma_wait3A_34 = tpu.memref_slice %arg5[%add3A_28, %dma_wait3A_33] : memref<10240x144xf32, #tpu.memory_space<vmem_shared>> -> memref<80x144xf32, #tpu.memory_space<vmem_shared>>
        tpu.wait_dma2 semaphore(%run_scoped3A : memref<!tpu.dma_semaphore, #tpu.memory_space<semaphore_mem>>) src(%arg7 : memref<80x144xf32, #tpu.memory_space<vmem>>) dst(%dma_wait3A_34 : memref<80x144xf32, #tpu.memory_space<vmem_shared>>)
        tpu.yield
      }) : () -> ()
    }
    %scan3A_8 = arith.constant 8 : i32
    %barrier3A = arith.constant 0 : index
    tpu.barrier barrier_id(%barrier3A)
    %mul3A = arith.constant 10000 : i32
    %mul3A_9 = arith.muli %arg1, %mul3A : i32
    %scan3A_10 = arith.constant 0 : i32
    %scan3A_11 = arith.constant 125 : i32
    %scan3A_12 = arith.addi %scan3A_10, %scan3A_11 : i32
    %scan3A_13 = arith.constant 1 : i32
    scf.for %scan3A_20 = %scan3A_10 to %scan3A_12 step %scan3A_13  : i32 {
      %mul3A_21 = arith.constant 1 : i32
      %mul3A_22 = arith.muli %scan3A_20, %mul3A_21 : i32
      %add3A = arith.constant 0 : i32
      %add3A_23 = arith.addi %add3A, %mul3A_22 : i32
      %mul3A_24 = arith.constant 80 : i32
      %mul3A_25 = arith.muli %add3A_23, %mul3A_24 : i32
      %add3A_26 = arith.addi %mul3A_9, %mul3A_25 : i32
      "tpu.region"() ({
        %run_scoped3A = tpu.sem_alloc : memref<!tpu.dma_semaphore, #tpu.memory_space<semaphore_mem>>
        %dma_start3A = tpu.memref_slice %arg3[%add3A_26] : memref<160000xi32, #tpu.memory_space<hbm>> -> memref<80xi32, #tpu.memory_space<hbm>>
        %dma_start3A_27 = tpu.memref_slice %arg3[%add3A_26] : memref<160000xi32, #tpu.memory_space<hbm>> -> memref<80xi32, #tpu.memory_space<hbm>>
        tpu.enqueue_dma source(%dma_start3A_27 : memref<80xi32, #tpu.memory_space<hbm>>) target(%arg6 : memref<80xi32, #tpu.memory_space<vmem>>) target_semaphore(%run_scoped3A : memref<!tpu.dma_semaphore, #tpu.memory_space<semaphore_mem>>)
        %dma_wait3A = tpu.memref_slice %arg3[%add3A_26] : memref<160000xi32, #tpu.memory_space<hbm>> -> memref<80xi32, #tpu.memory_space<hbm>>
        %dma_wait3A_28 = tpu.memref_slice %arg3[%add3A_26] : memref<160000xi32, #tpu.memory_space<hbm>> -> memref<80xi32, #tpu.memory_space<hbm>>
        tpu.wait_dma2 semaphore(%run_scoped3A : memref<!tpu.dma_semaphore, #tpu.memory_space<semaphore_mem>>) src(%dma_wait3A_28 : memref<80xi32, #tpu.memory_space<hbm>>) dst(%arg6 : memref<80xi32, #tpu.memory_space<vmem>>)
        tpu.yield
      }) : () -> ()
      "tpu.region"() ({
        %run_scoped3A = tpu.sem_alloc : memref<!tpu.dma_semaphore, #tpu.memory_space<semaphore_mem>>
        %dma_start3A = arith.constant 0 : i32
        %dma_start3A_27 = tpu.memref_slice %arg2[%arg0, %add3A_26, %dma_start3A] : memref<2x160000x144xf32, #tpu.memory_space<hbm>> -> memref<1x80x144xf32, #tpu.memory_space<hbm>>
        %dma_start3A_28 = tpu.memref_squeeze %dma_start3A_27 : memref<1x80x144xf32, #tpu.memory_space<hbm>> -> memref<80x144xf32, #tpu.memory_space<hbm>>
        %dma_start3A_29 = arith.constant 0 : i32
        %dma_start3A_30 = tpu.memref_slice %arg2[%arg0, %add3A_26, %dma_start3A_29] : memref<2x160000x144xf32, #tpu.memory_space<hbm>> -> memref<1x80x144xf32, #tpu.memory_space<hbm>>
        %dma_start3A_31 = tpu.memref_squeeze %dma_start3A_30 : memref<1x80x144xf32, #tpu.memory_space<hbm>> -> memref<80x144xf32, #tpu.memory_space<hbm>>
        tpu.enqueue_dma source(%dma_start3A_31 : memref<80x144xf32, #tpu.memory_space<hbm>>) target(%arg7 : memref<80x144xf32, #tpu.memory_space<vmem>>) target_semaphore(%run_scoped3A : memref<!tpu.dma_semaphore, #tpu.memory_space<semaphore_mem>>)
        %dma_wait3A = arith.constant 0 : i32
        %dma_wait3A_32 = tpu.memref_slice %arg2[%arg0, %add3A_26, %dma_wait3A] : memref<2x160000x144xf32, #tpu.memory_space<hbm>> -> memref<1x80x144xf32, #tpu.memory_space<hbm>>
        %dma_wait3A_33 = tpu.memref_squeeze %dma_wait3A_32 : memref<1x80x144xf32, #tpu.memory_space<hbm>> -> memref<80x144xf32, #tpu.memory_space<hbm>>
        %dma_wait3A_34 = arith.constant 0 : i32
        %dma_wait3A_35 = tpu.memref_slice %arg2[%arg0, %add3A_26, %dma_wait3A_34] : memref<2x160000x144xf32, #tpu.memory_space<hbm>> -> memref<1x80x144xf32, #tpu.memory_space<hbm>>
        %dma_wait3A_36 = tpu.memref_squeeze %dma_wait3A_35 : memref<1x80x144xf32, #tpu.memory_space<hbm>> -> memref<80x144xf32, #tpu.memory_space<hbm>>
        tpu.wait_dma2 semaphore(%run_scoped3A : memref<!tpu.dma_semaphore, #tpu.memory_space<semaphore_mem>>) src(%dma_wait3A_36 : memref<80x144xf32, #tpu.memory_space<hbm>>) dst(%arg7 : memref<80x144xf32, #tpu.memory_space<vmem>>)
        tpu.yield
      }) : () -> ()
      "tpu.region"() ({
        %run_scoped3A = tpu.sem_alloc : memref<!tpu.dma_semaphore, #tpu.memory_space<semaphore_mem>>
        %dma_start3A = arith.constant 0 : i32
        %dma_start3A_27 = arith.constant 0 : i32
        %dma_start3A_28 = tpu.memref_slice %arg5[%dma_start3A, %dma_start3A_27] : memref<10240x144xf32, #tpu.memory_space<vmem_shared>> -> memref<10240x144xf32, #tpu.memory_space<vmem_shared>>
        tpu.enqueue_indirect_dma source(%arg7 : memref<80x144xf32, #tpu.memory_space<vmem>>) target(%dma_start3A_28 : memref<10240x144xf32, #tpu.memory_space<vmem_shared>>) offsets(%arg6 : memref<80xi32, #tpu.memory_space<vmem>>) semaphore(%run_scoped3A : memref<!tpu.dma_semaphore, #tpu.memory_space<semaphore_mem>>) {add = true}
        %dma_wait3A = arith.constant 0 : i32
        %dma_wait3A_29 = arith.constant 0 : i32
        %dma_wait3A_30 = tpu.memref_slice %arg5[%dma_wait3A, %dma_wait3A_29] : memref<10240x144xf32, #tpu.memory_space<vmem_shared>> -> memref<10240x144xf32, #tpu.memory_space<vmem_shared>>
        tpu.wait_indirect_dma semaphore(%run_scoped3A : memref<!tpu.dma_semaphore, #tpu.memory_space<semaphore_mem>>) src(%arg7 : memref<80x144xf32, #tpu.memory_space<vmem>>) dst(%dma_wait3A_30 : memref<10240x144xf32, #tpu.memory_space<vmem_shared>>)
        tpu.yield
      }) : () -> ()
    }
    %scan3A_14 = arith.constant 125 : i32
    %barrier3A_15 = arith.constant 0 : index
    tpu.barrier barrier_id(%barrier3A_15)
    %mul3A_16 = arith.constant 640 : i32
    %mul3A_17 = arith.muli %arg1, %mul3A_16 : i32
    %mul3A_18 = arith.constant 640 : i32
    %mul3A_19 = arith.muli %arg1, %mul3A_18 : i32
    "tpu.region"() ({
      %run_scoped3A = tpu.sem_alloc : memref<!tpu.dma_semaphore, #tpu.memory_space<semaphore_mem>>
      %dma_start3A = arith.constant 0 : i32
      %dma_start3A_20 = tpu.memref_slice %arg4[%arg0, %mul3A_19, %dma_start3A] : memref<2x10240x144xf32, #tpu.memory_space<hbm>> -> memref<1x640x144xf32, #tpu.memory_space<hbm>>
      %dma_start3A_21 = tpu.memref_squeeze %dma_start3A_20 : memref<1x640x144xf32, #tpu.memory_space<hbm>> -> memref<640x144xf32, #tpu.memory_space<hbm>>
      %dma_start3A_22 = arith.constant 0 : i32
      %dma_start3A_23 = tpu.memref_slice %arg5[%mul3A_17, %dma_start3A_22] : memref<10240x144xf32, #tpu.memory_space<vmem_shared>> -> memref<640x144xf32, #tpu.memory_space<vmem_shared>>
      tpu.enqueue_dma source(%dma_start3A_23 : memref<640x144xf32, #tpu.memory_space<vmem_shared>>) target(%dma_start3A_21 : memref<640x144xf32, #tpu.memory_space<hbm>>) target_semaphore(%run_scoped3A : memref<!tpu.dma_semaphore, #tpu.memory_space<semaphore_mem>>)
      %dma_wait3A = arith.constant 0 : i32
      %dma_wait3A_24 = tpu.memref_slice %arg4[%arg0, %mul3A_19, %dma_wait3A] : memref<2x10240x144xf32, #tpu.memory_space<hbm>> -> memref<1x640x144xf32, #tpu.memory_space<hbm>>
      %dma_wait3A_25 = tpu.memref_squeeze %dma_wait3A_24 : memref<1x640x144xf32, #tpu.memory_space<hbm>> -> memref<640x144xf32, #tpu.memory_space<hbm>>
      %dma_wait3A_26 = arith.constant 0 : i32
      %dma_wait3A_27 = tpu.memref_slice %arg5[%mul3A_17, %dma_wait3A_26] : memref<10240x144xf32, #tpu.memory_space<vmem_shared>> -> memref<640x144xf32, #tpu.memory_space<vmem_shared>>
      tpu.wait_dma2 semaphore(%run_scoped3A : memref<!tpu.dma_semaphore, #tpu.memory_space<semaphore_mem>>) src(%dma_wait3A_27 : memref<640x144xf32, #tpu.memory_space<vmem_shared>>) dst(%dma_wait3A_25 : memref<640x144xf32, #tpu.memory_space<hbm>>)
      tpu.yield
    }) : () -> ()
    return
  }
}

module attributes {stable_mosaic.version = 14 : i64} {
  func.func @_k1_body(%arg0: i32, %arg1: memref<1000x128xf32, #tpu.memory_space<vmem>>, %arg2: memref<128x288xf32, #tpu.memory_space<vmem>>, %arg3: memref<128x32xf32, #tpu.memory_space<vmem>>, %arg4: memref<1000x288xf32, #tpu.memory_space<vmem>>, %arg5: memref<1000x32xf32, #tpu.memory_space<vmem>>) attributes {dimension_semantics = [#tpu.dimension_semantics<arbitrary>], iteration_bounds = array<i64: 10>, scalar_prefetch = 0 : i64, scratch_operands = 0 : i64, tpu.core_type = #tpu.core_type<tc>, window_params = [{transform_indices = @transform_0, window_bounds = array<i64: 1000, 128>}, {pipeline_mode = #tpu.pipeline_mode<synchronous>, transform_indices = @transform_1, window_bounds = array<i64: 128, 288>}, {pipeline_mode = #tpu.pipeline_mode<synchronous>, transform_indices = @transform_2, window_bounds = array<i64: 128, 32>}, {transform_indices = @transform_3, window_bounds = array<i64: 1000, 288>}, {transform_indices = @transform_4, window_bounds = array<i64: 1000, 32>}]} {
    %get3A = arith.constant 0 : index
    %get3A_0 = arith.constant 0 : index
    %get3A_1 = vector.load %arg1[%get3A, %get3A_0] : memref<1000x128xf32, #tpu.memory_space<vmem>>, vector<1000x128xf32>
    %reduce_sum3A = arith.constant dense<0.000000e+00> : vector<1000xf32>
    %reduce_sum3A_2 = vector.multi_reduction <add>, %get3A_1, %reduce_sum3A [1] : vector<1000x128xf32> to vector<1000xf32>
    %broadcast_in_dim3A = vector.shape_cast %reduce_sum3A_2 : vector<1000xf32> to vector<1000x1xf32>
    %div3A = arith.constant 1.280000e+02 : f32
    %div3A_3 = vector.broadcast %div3A : f32 to vector<1000x1xf32>
    %div3A_4 = arith.divf %broadcast_in_dim3A, %div3A_3 : vector<1000x1xf32>
    %sub3A = vector.broadcast %div3A_4 : vector<1000x1xf32> to vector<1000x128xf32>
    %sub3A_5 = arith.subf %get3A_1, %sub3A : vector<1000x128xf32>
    %mul3A = arith.mulf %sub3A_5, %sub3A_5 : vector<1000x128xf32>
    %reduce_sum3A_6 = arith.constant dense<0.000000e+00> : vector<1000xf32>
    %reduce_sum3A_7 = vector.multi_reduction <add>, %mul3A, %reduce_sum3A_6 [1] : vector<1000x128xf32> to vector<1000xf32>
    %broadcast_in_dim3A_8 = vector.shape_cast %reduce_sum3A_7 : vector<1000xf32> to vector<1000x1xf32>
    %div3A_9 = arith.constant 1.280000e+02 : f32
    %div3A_10 = vector.broadcast %div3A_9 : f32 to vector<1000x1xf32>
    %div3A_11 = arith.divf %broadcast_in_dim3A_8, %div3A_10 : vector<1000x1xf32>
    %add3A = arith.constant 9.99999974E-6 : f32
    %add3A_12 = vector.broadcast %add3A : f32 to vector<1000x1xf32>
    %add3A_13 = arith.addf %div3A_11, %add3A_12 : vector<1000x1xf32>
    %rsqrt3A = math.rsqrt %add3A_13 : vector<1000x1xf32>
    %mul3A_14 = vector.broadcast %rsqrt3A : vector<1000x1xf32> to vector<1000x128xf32>
    %mul3A_15 = arith.mulf %sub3A_5, %mul3A_14 : vector<1000x128xf32>
    %get3A_16 = arith.constant 0 : index
    %get3A_17 = arith.constant 0 : index
    %get3A_18 = vector.load %arg2[%get3A_16, %get3A_17] : memref<128x288xf32, #tpu.memory_space<vmem>>, vector<128x288xf32>
    %dot_general3A = arith.constant dense<0.000000e+00> : vector<1000x288xf32>
    %dot_general3A_19 = tpu.matmul %mul3A_15, %get3A_18, %dot_general3A {dimension_numbers = #tpu.dot_dimension_numbers<[1], [0], [0], [1], [0, 0, 1, 1], [], []>, transpose_lhs_hint = false} : vector<1000x128xf32>, vector<128x288xf32>, vector<1000x288xf32> -> vector<1000x288xf32>
    %swap3A = arith.constant 0 : index
    %swap3A_20 = arith.constant 0 : index
    %swap3A_21 = vector.load %arg4[%swap3A, %swap3A_20] : memref<1000x288xf32, #tpu.memory_space<vmem>>, vector<1000x288xf32>
    tpu.vector_store %arg4[%swap3A, %swap3A_20], %dot_general3A_19 {strides = array<i32>} : memref<1000x288xf32, #tpu.memory_space<vmem>>, vector<1000x288xf32>,
    %get3A_22 = arith.constant 0 : index
    %get3A_23 = arith.constant 0 : index
    %get3A_24 = vector.load %arg3[%get3A_22, %get3A_23] : memref<128x32xf32, #tpu.memory_space<vmem>>, vector<128x32xf32>
    %dot_general3A_25 = arith.constant dense<0.000000e+00> : vector<1000x32xf32>
    %dot_general3A_26 = tpu.matmul %mul3A_15, %get3A_24, %dot_general3A_25 {dimension_numbers = #tpu.dot_dimension_numbers<[1], [0], [0], [1], [0, 0, 1, 1], [], []>, transpose_lhs_hint = false} : vector<1000x128xf32>, vector<128x32xf32>, vector<1000x32xf32> -> vector<1000x32xf32>
    %swap3A_27 = arith.constant 0 : index
    %swap3A_28 = arith.constant 0 : index
    %swap3A_29 = vector.load %arg5[%swap3A_27, %swap3A_28] : memref<1000x32xf32, #tpu.memory_space<vmem>>, vector<1000x32xf32>
    tpu.vector_store %arg5[%swap3A_27, %swap3A_28], %dot_general3A_26 {strides = array<i32>} : memref<1000x32xf32, #tpu.memory_space<vmem>>, vector<1000x32xf32>,
    return
  }
  func.func @transform_0(%arg0: i32) -> (i32, i32) {
    %c0_i32 = arith.constant 0 : i32
    %c0_i32_0 = arith.constant 0 : i32
    return %arg0, %c0_i32 : i32, i32
  }
  func.func @transform_1(%arg0: i32) -> (i32, i32) {
    %c0_i32 = arith.constant 0 : i32
    %c0_i32_0 = arith.constant 0 : i32
    %c0_i32_1 = arith.constant 0 : i32
    return %c0_i32, %c0_i32_0 : i32, i32
  }
  func.func @transform_2(%arg0: i32) -> (i32, i32) {
    %c0_i32 = arith.constant 0 : i32
    %c0_i32_0 = arith.constant 0 : i32
    %c0_i32_1 = arith.constant 0 : i32
    return %c0_i32, %c0_i32_0 : i32, i32
  }
  func.func @transform_3(%arg0: i32) -> (i32, i32) {
    %c0_i32 = arith.constant 0 : i32
    %c0_i32_0 = arith.constant 0 : i32
    return %arg0, %c0_i32 : i32, i32
  }
  func.func @transform_4(%arg0: i32) -> (i32, i32) {
    %c0_i32 = arith.constant 0 : i32
    %c0_i32_0 = arith.constant 0 : i32
    return %arg0, %c0_i32 : i32, i32
  }
}

module attributes {stable_mosaic.version = 14 : i64} {
  func.func @_k2_body(%arg0: i32, %arg1: memref<2000x16xf32, #tpu.memory_space<vmem>>, %arg2: memref<2000x8xf32, #tpu.memory_space<vmem>>, %arg3: memref<2000x288xf32, #tpu.memory_space<vmem>>, %arg4: memref<2000x32xf32, #tpu.memory_space<vmem>>, %arg5: memref<16x128xf32, #tpu.memory_space<vmem>>, %arg6: memref<8x128xf32, #tpu.memory_space<vmem>>, %arg7: memref<128x32xf32, #tpu.memory_space<vmem>>, %arg8: memref<32x256xf32, #tpu.memory_space<vmem>>, %arg9: memref<256x8xf32, #tpu.memory_space<vmem>>, %arg10: memref<2000x32xf32, #tpu.memory_space<vmem>>, %arg11: memref<2000x8xf32, #tpu.memory_space<vmem>>, %arg12: memref<1x8xf32, #tpu.memory_space<vmem>>) attributes {dimension_semantics = [#tpu.dimension_semantics<arbitrary>], iteration_bounds = array<i64: 80>, scalar_prefetch = 0 : i64, scratch_operands = 0 : i64, tpu.core_type = #tpu.core_type<tc>, window_params = [{transform_indices = @transform_0, window_bounds = array<i64: 2000, 16>}, {transform_indices = @transform_1, window_bounds = array<i64: 2000, 8>}, {transform_indices = @transform_2, window_bounds = array<i64: 2000, 288>}, {transform_indices = @transform_3, window_bounds = array<i64: 2000, 32>}, {pipeline_mode = #tpu.pipeline_mode<synchronous>, transform_indices = @transform_4, window_bounds = array<i64: 16, 128>}, {pipeline_mode = #tpu.pipeline_mode<synchronous>, transform_indices = @transform_5, window_bounds = array<i64: 8, 128>}, {pipeline_mode = #tpu.pipeline_mode<synchronous>, transform_indices = @transform_6, window_bounds = array<i64: 128, 32>}, {pipeline_mode = #tpu.pipeline_mode<synchronous>, transform_indices = @transform_7, window_bounds = array<i64: 32, 256>}, {pipeline_mode = #tpu.pipeline_mode<synchronous>, transform_indices = @transform_8, window_bounds = array<i64: 256, 8>}, {transform_indices = @transform_9, window_bounds = array<i64: 2000, 32>}, {transform_indices = @transform_10, window_bounds = array<i64: 2000, 8>}, {pipeline_mode = #tpu.pipeline_mode<synchronous>, transform_indices = @transform_11, window_bounds = array<i64: 1, 8>}]} {
    %get3A = arith.constant 0 : index
    %get3A_0 = arith.constant 0 : index
    %get3A_1 = vector.load %arg1[%get3A, %get3A_0] : memref<2000x16xf32, #tpu.memory_space<vmem>>, vector<2000x16xf32>
    %get3A_2 = arith.constant 0 : index
    %get3A_3 = arith.constant 0 : index
    %get3A_4 = vector.load %arg5[%get3A_2, %get3A_3] : memref<16x128xf32, #tpu.memory_space<vmem>>, vector<16x128xf32>
    %dot_general3A = arith.constant dense<0.000000e+00> : vector<2000x128xf32>
    %dot_general3A_5 = tpu.matmul %get3A_1, %get3A_4, %dot_general3A {dimension_numbers = #tpu.dot_dimension_numbers<[1], [0], [0], [1], [0, 0, 1, 1], [], []>, transpose_lhs_hint = false} : vector<2000x16xf32>, vector<16x128xf32>, vector<2000x128xf32> -> vector<2000x128xf32>
    %get3A_6 = arith.constant 0 : index
    %get3A_7 = arith.constant 0 : index
    %get3A_8 = vector.load %arg2[%get3A_6, %get3A_7] : memref<2000x8xf32, #tpu.memory_space<vmem>>, vector<2000x8xf32>
    %get3A_9 = arith.constant 0 : index
    %get3A_10 = arith.constant 0 : index
    %get3A_11 = vector.load %arg6[%get3A_9, %get3A_10] : memref<8x128xf32, #tpu.memory_space<vmem>>, vector<8x128xf32>
    %dot_general3A_12 = arith.constant dense<0.000000e+00> : vector<2000x128xf32>
    %dot_general3A_13 = tpu.matmul %get3A_8, %get3A_11, %dot_general3A_12 {dimension_numbers = #tpu.dot_dimension_numbers<[1], [0], [0], [1], [0, 0, 1, 1], [], []>, transpose_lhs_hint = false} : vector<2000x8xf32>, vector<8x128xf32>, vector<2000x128xf32> -> vector<2000x128xf32>
    %mul3A = arith.mulf %dot_general3A_5, %dot_general3A_13 : vector<2000x128xf32>
    %get3A_14 = arith.constant 0 : index
    %get3A_15 = arith.constant 0 : index
    %get3A_16 = vector.load %arg7[%get3A_14, %get3A_15] : memref<128x32xf32, #tpu.memory_space<vmem>>, vector<128x32xf32>
    %dot_general3A_17 = arith.constant dense<0.000000e+00> : vector<2000x32xf32>
    %dot_general3A_18 = tpu.matmul %mul3A, %get3A_16, %dot_general3A_17 {dimension_numbers = #tpu.dot_dimension_numbers<[1], [0], [0], [1], [0, 0, 1, 1], [], []>, transpose_lhs_hint = false} : vector<2000x128xf32>, vector<128x32xf32>, vector<2000x32xf32> -> vector<2000x32xf32>
    %get3A_19 = arith.constant 0 : index
    %get3A_20 = arith.constant 0 : index
    %get3A_21 = vector.load %arg3[%get3A_19, %get3A_20] : memref<2000x288xf32, #tpu.memory_space<vmem>>, vector<2000x288xf32>
    %slice3A = vector.extract_strided_slice %get3A_21 {offsets = [0, 0], sizes = [2000, 256], strides = [1, 1]} : vector<2000x288xf32> to vector<2000x256xf32>
    %slice3A_22 = vector.extract_strided_slice %get3A_21 {offsets = [0, 256], sizes = [2000, 32], strides = [1, 1]} : vector<2000x288xf32> to vector<2000x32xf32>
    %get3A_23 = arith.constant 0 : index
    %get3A_24 = arith.constant 0 : index
    %get3A_25 = vector.load %arg4[%get3A_23, %get3A_24] : memref<2000x32xf32, #tpu.memory_space<vmem>>, vector<2000x32xf32>
    %add3A = arith.addf %slice3A_22, %get3A_25 : vector<2000x32xf32>
    %mul3A_26 = arith.mulf %add3A, %dot_general3A_18 : vector<2000x32xf32>
    %mul3A_27 = arith.constant 0.353553385 : f32
    %mul3A_28 = vector.broadcast %mul3A_27 : f32 to vector<2000x32xf32>
    %mul3A_29 = arith.mulf %mul3A_26, %mul3A_28 : vector<2000x32xf32>
    %swap3A = arith.constant 0 : index
    %swap3A_30 = arith.constant 0 : index
    %swap3A_31 = vector.load %arg10[%swap3A, %swap3A_30] : memref<2000x32xf32, #tpu.memory_space<vmem>>, vector<2000x32xf32>
    tpu.vector_store %arg10[%swap3A, %swap3A_30], %mul3A_29 {strides = array<i32>} : memref<2000x32xf32, #tpu.memory_space<vmem>>, vector<2000x32xf32>,
    %get3A_32 = arith.constant 0 : index
    %get3A_33 = arith.constant 0 : index
    %get3A_34 = vector.load %arg8[%get3A_32, %get3A_33] : memref<32x256xf32, #tpu.memory_space<vmem>>, vector<32x256xf32>
    %dot_general3A_35 = arith.constant dense<0.000000e+00> : vector<2000x256xf32>
    %dot_general3A_36 = tpu.matmul %mul3A_29, %get3A_34, %dot_general3A_35 {dimension_numbers = #tpu.dot_dimension_numbers<[1], [0], [0], [1], [0, 0, 1, 1], [], []>, transpose_lhs_hint = false} : vector<2000x32xf32>, vector<32x256xf32>, vector<2000x256xf32> -> vector<2000x256xf32>
    %mul3A_37 = arith.mulf %slice3A, %dot_general3A_36 : vector<2000x256xf32>
    %get3A_38 = arith.constant 0 : index
    %get3A_39 = arith.constant 0 : index
    %get3A_40 = vector.load %arg9[%get3A_38, %get3A_39] : memref<256x8xf32, #tpu.memory_space<vmem>>, vector<256x8xf32>
    %dot_general3A_41 = arith.constant dense<0.000000e+00> : vector<2000x8xf32>
    %dot_general3A_42 = tpu.matmul %mul3A_37, %get3A_40, %dot_general3A_41 {dimension_numbers = #tpu.dot_dimension_numbers<[1], [0], [0], [1], [0, 0, 1, 1], [], []>, transpose_lhs_hint = false} : vector<2000x256xf32>, vector<256x8xf32>, vector<2000x8xf32> -> vector<2000x8xf32>
    %mul3A_43 = arith.constant 0.176776692 : f32
    %mul3A_44 = vector.broadcast %mul3A_43 : f32 to vector<2000x8xf32>
    %mul3A_45 = arith.mulf %dot_general3A_42, %mul3A_44 : vector<2000x8xf32>
    %swap3A_46 = arith.constant 0 : index
    %swap3A_47 = arith.constant 0 : index
    %swap3A_48 = vector.load %arg11[%swap3A_46, %swap3A_47] : memref<2000x8xf32, #tpu.memory_space<vmem>>, vector<2000x8xf32>
    tpu.vector_store %arg11[%swap3A_46, %swap3A_47], %mul3A_45 {strides = array<i32>} : memref<2000x8xf32, #tpu.memory_space<vmem>>, vector<2000x8xf32>,
    %reduce_max3A = arith.constant dense<0xFF800000> : vector<8xf32>
    %reduce_max3A_49 = vector.multi_reduction <maximumf>, %mul3A_45, %reduce_max3A [0] : vector<2000x8xf32> to vector<8xf32>
    %broadcast_in_dim3A = vector.shape_cast %reduce_max3A_49 : vector<8xf32> to vector<1x8xf32>
    %eq3A = arith.constant 0 : i32
    %eq3A_50 = arith.cmpi eq, %arg0, %eq3A : i32
    %convert_element_type3A = arith.extui %eq3A_50 : i1 to i32
    %cond3A = arith.constant 0 : i32
    %cond3A_51 = arith.cmpi ne, %convert_element_type3A, %cond3A : i32
    scf.if %cond3A_51 {
      %swap3A_56 = arith.constant 0 : index
      %swap3A_57 = arith.constant 0 : index
      %swap3A_58 = vector.load %arg12[%swap3A_56, %swap3A_57] : memref<1x8xf32, #tpu.memory_space<vmem>>, vector<1x8xf32>
      tpu.vector_store %arg12[%swap3A_56, %swap3A_57], %broadcast_in_dim3A {strides = array<i32>} : memref<1x8xf32, #tpu.memory_space<vmem>>, vector<1x8xf32>,
    } else {
    }
    %ne3A = arith.constant 0 : i32
    %ne3A_52 = arith.cmpi ne, %arg0, %ne3A : i32
    %convert_element_type3A_53 = arith.extui %ne3A_52 : i1 to i32
    %cond3A_54 = arith.constant 0 : i32
    %cond3A_55 = arith.cmpi ne, %convert_element_type3A_53, %cond3A_54 : i32
    scf.if %cond3A_55 {
      %get3A_56 = arith.constant 0 : index
      %get3A_57 = arith.constant 0 : index
      %get3A_58 = vector.load %arg12[%get3A_56, %get3A_57] : memref<1x8xf32, #tpu.memory_space<vmem>>, vector<1x8xf32>
      %max3A = arith.maximumf %get3A_58, %broadcast_in_dim3A : vector<1x8xf32>
      %swap3A_59 = arith.constant 0 : index
      %swap3A_60 = arith.constant 0 : index
      %swap3A_61 = vector.load %arg12[%swap3A_59, %swap3A_60] : memref<1x8xf32, #tpu.memory_space<vmem>>, vector<1x8xf32>
      tpu.vector_store %arg12[%swap3A_59, %swap3A_60], %max3A {strides = array<i32>} : memref<1x8xf32, #tpu.memory_space<vmem>>, vector<1x8xf32>,
    } else {
    }
    return
  }
  func.func @transform_0(%arg0: i32) -> (i32, i32) {
    %c0_i32 = arith.constant 0 : i32
    %c0_i32_0 = arith.constant 0 : i32
    return %arg0, %c0_i32 : i32, i32
  }
  func.func @transform_1(%arg0: i32) -> (i32, i32) {
    %c0_i32 = arith.constant 0 : i32
    %c0_i32_0 = arith.constant 0 : i32
    return %arg0, %c0_i32 : i32, i32
  }
  func.func @transform_2(%arg0: i32) -> (i32, i32) {
    %c0_i32 = arith.constant 0 : i32
    %c0_i32_0 = arith.constant 0 : i32
    return %arg0, %c0_i32 : i32, i32
  }
  func.func @transform_3(%arg0: i32) -> (i32, i32) {
    %c0_i32 = arith.constant 0 : i32
    %c0_i32_0 = arith.constant 0 : i32
    return %arg0, %c0_i32 : i32, i32
  }
  func.func @transform_4(%arg0: i32) -> (i32, i32) {
    %c0_i32 = arith.constant 0 : i32
    %c0_i32_0 = arith.constant 0 : i32
    %c0_i32_1 = arith.constant 0 : i32
    return %c0_i32, %c0_i32_0 : i32, i32
  }
  func.func @transform_5(%arg0: i32) -> (i32, i32) {
    %c0_i32 = arith.constant 0 : i32
    %c0_i32_0 = arith.constant 0 : i32
    %c0_i32_1 = arith.constant 0 : i32
    return %c0_i32, %c0_i32_0 : i32, i32
  }
  func.func @transform_6(%arg0: i32) -> (i32, i32) {
    %c0_i32 = arith.constant 0 : i32
    %c0_i32_0 = arith.constant 0 : i32
    %c0_i32_1 = arith.constant 0 : i32
    return %c0_i32, %c0_i32_0 : i32, i32
  }
  func.func @transform_7(%arg0: i32) -> (i32, i32) {
    %c0_i32 = arith.constant 0 : i32
    %c0_i32_0 = arith.constant 0 : i32
    %c0_i32_1 = arith.constant 0 : i32
    return %c0_i32, %c0_i32_0 : i32, i32
  }
  func.func @transform_8(%arg0: i32) -> (i32, i32) {
    %c0_i32 = arith.constant 0 : i32
    %c0_i32_0 = arith.constant 0 : i32
    %c0_i32_1 = arith.constant 0 : i32
    return %c0_i32, %c0_i32_0 : i32, i32
  }
  func.func @transform_9(%arg0: i32) -> (i32, i32) {
    %c0_i32 = arith.constant 0 : i32
    %c0_i32_0 = arith.constant 0 : i32
    return %arg0, %c0_i32 : i32, i32
  }
  func.func @transform_10(%arg0: i32) -> (i32, i32) {
    %c0_i32 = arith.constant 0 : i32
    %c0_i32_0 = arith.constant 0 : i32
    return %arg0, %c0_i32 : i32, i32
  }
  func.func @transform_11(%arg0: i32) -> (i32, i32) {
    %c0_i32 = arith.constant 0 : i32
    %c0_i32_0 = arith.constant 0 : i32
    %c0_i32_1 = arith.constant 0 : i32
    return %c0_i32, %c0_i32_0 : i32, i32
  }
}

module attributes {stable_mosaic.version = 14 : i64} {
  func.func @_k3_body(%arg0: i32, %arg1: memref<2000x32xf32, #tpu.memory_space<vmem>>, %arg2: memref<2000x8xf32, #tpu.memory_space<vmem>>, %arg3: memref<1x8xf32, #tpu.memory_space<vmem>>, %arg4: memref<32x256xf32, #tpu.memory_space<vmem>>, %arg5: memref<8x256xf32, #tpu.memory_space<vmem>>, %arg6: memref<2x2000x144xf32, #tpu.memory_space<vmem>>) attributes {dimension_semantics = [#tpu.dimension_semantics<arbitrary>], iteration_bounds = array<i64: 80>, scalar_prefetch = 0 : i64, scratch_operands = 0 : i64, tpu.core_type = #tpu.core_type<tc>, window_params = [{transform_indices = @transform_0, window_bounds = array<i64: 2000, 32>}, {transform_indices = @transform_1, window_bounds = array<i64: 2000, 8>}, {pipeline_mode = #tpu.pipeline_mode<synchronous>, transform_indices = @transform_2, window_bounds = array<i64: 1, 8>}, {pipeline_mode = #tpu.pipeline_mode<synchronous>, transform_indices = @transform_3, window_bounds = array<i64: 32, 256>}, {pipeline_mode = #tpu.pipeline_mode<synchronous>, transform_indices = @transform_4, window_bounds = array<i64: 8, 256>}, {transform_indices = @transform_5, window_bounds = array<i64: 2, 2000, 144>}]} {
    %get3A = arith.constant 0 : index
    %get3A_0 = arith.constant 0 : index
    %get3A_1 = vector.load %arg2[%get3A, %get3A_0] : memref<2000x8xf32, #tpu.memory_space<vmem>>, vector<2000x8xf32>
    %get3A_2 = arith.constant 0 : index
    %get3A_3 = arith.constant 0 : index
    %get3A_4 = vector.load %arg3[%get3A_2, %get3A_3] : memref<1x8xf32, #tpu.memory_space<vmem>>, vector<1x8xf32>
    %sub3A = vector.broadcast %get3A_4 : vector<1x8xf32> to vector<2000x8xf32>
    %sub3A_5 = arith.subf %get3A_1, %sub3A : vector<2000x8xf32>
    %exp3A = math.exp %sub3A_5 : vector<2000x8xf32>
    %get3A_6 = arith.constant 0 : index
    %get3A_7 = arith.constant 0 : index
    %get3A_8 = vector.load %arg1[%get3A_6, %get3A_7] : memref<2000x32xf32, #tpu.memory_space<vmem>>, vector<2000x32xf32>
    %get3A_9 = arith.constant 0 : index
    %get3A_10 = arith.constant 0 : index
    %get3A_11 = vector.load %arg4[%get3A_9, %get3A_10] : memref<32x256xf32, #tpu.memory_space<vmem>>, vector<32x256xf32>
    %dot_general3A = arith.constant dense<0.000000e+00> : vector<2000x256xf32>
    %dot_general3A_12 = tpu.matmul %get3A_8, %get3A_11, %dot_general3A {dimension_numbers = #tpu.dot_dimension_numbers<[1], [0], [0], [1], [0, 0, 1, 1], [], []>, transpose_lhs_hint = false} : vector<2000x32xf32>, vector<32x256xf32>, vector<2000x256xf32> -> vector<2000x256xf32>
    %get3A_13 = arith.constant 0 : index
    %get3A_14 = arith.constant 0 : index
    %get3A_15 = vector.load %arg5[%get3A_13, %get3A_14] : memref<8x256xf32, #tpu.memory_space<vmem>>, vector<8x256xf32>
    %dot_general3A_16 = arith.constant dense<0.000000e+00> : vector<2000x256xf32>
    %dot_general3A_17 = tpu.matmul %exp3A, %get3A_15, %dot_general3A_16 {dimension_numbers = #tpu.dot_dimension_numbers<[1], [0], [0], [1], [0, 0, 1, 1], [], []>, transpose_lhs_hint = false} : vector<2000x8xf32>, vector<8x256xf32>, vector<2000x256xf32> -> vector<2000x256xf32>
    %mul3A = arith.mulf %dot_general3A_17, %dot_general3A_12 : vector<2000x256xf32>
    %broadcast_in_dim3A = arith.constant 0.000000e+00 : f32
    %broadcast_in_dim3A_18 = vector.broadcast %broadcast_in_dim3A : f32 to vector<2000x12xf32>
    %slice3A = vector.extract_strided_slice %mul3A {offsets = [0, 0], sizes = [2000, 128], strides = [1, 1]} : vector<2000x256xf32> to vector<2000x128xf32>
    %slice3A_19 = vector.extract_strided_slice %exp3A {offsets = [0, 0], sizes = [2000, 4], strides = [1, 1]} : vector<2000x8xf32> to vector<2000x4xf32>
    %concatenate3A = tpu.concatenate %slice3A, %slice3A_19, %broadcast_in_dim3A_18 in 1 : vector<2000x128xf32>, vector<2000x4xf32>, vector<2000x12xf32> -> vector<2000x144xf32>
    %swap3A = arith.constant 0 : index
    %swap3A_20 = arith.constant 0 : index
    %swap3A_21 = arith.constant 0 : index
    %swap3A_22 = vector.load %arg6[%swap3A, %swap3A_20, %swap3A_21] : memref<2x2000x144xf32, #tpu.memory_space<vmem>>, vector<1x2000x144xf32>
    %swap3A_23 = vector.shape_cast %swap3A_22 : vector<1x2000x144xf32> to vector<2000x144xf32>
    %swap3A_24 = vector.shape_cast %concatenate3A : vector<2000x144xf32> to vector<1x2000x144xf32>
    tpu.vector_store %arg6[%swap3A, %swap3A_20, %swap3A_21], %swap3A_24 {strides = array<i32>} : memref<2x2000x144xf32, #tpu.memory_space<vmem>>, vector<1x2000x144xf32>,
    %slice3A_25 = vector.extract_strided_slice %mul3A {offsets = [0, 128], sizes = [2000, 128], strides = [1, 1]} : vector<2000x256xf32> to vector<2000x128xf32>
    %slice3A_26 = vector.extract_strided_slice %exp3A {offsets = [0, 4], sizes = [2000, 4], strides = [1, 1]} : vector<2000x8xf32> to vector<2000x4xf32>
    %concatenate3A_27 = tpu.concatenate %slice3A_25, %slice3A_26, %broadcast_in_dim3A_18 in 1 : vector<2000x128xf32>, vector<2000x4xf32>, vector<2000x12xf32> -> vector<2000x144xf32>
    %swap3A_28 = arith.constant 1 : index
    %swap3A_29 = arith.constant 0 : index
    %swap3A_30 = arith.constant 0 : index
    %swap3A_31 = vector.load %arg6[%swap3A_28, %swap3A_29, %swap3A_30] : memref<2x2000x144xf32, #tpu.memory_space<vmem>>, vector<1x2000x144xf32>
    %swap3A_32 = vector.shape_cast %swap3A_31 : vector<1x2000x144xf32> to vector<2000x144xf32>
    %swap3A_33 = vector.shape_cast %concatenate3A_27 : vector<2000x144xf32> to vector<1x2000x144xf32>
    tpu.vector_store %arg6[%swap3A_28, %swap3A_29, %swap3A_30], %swap3A_33 {strides = array<i32>} : memref<2x2000x144xf32, #tpu.memory_space<vmem>>, vector<1x2000x144xf32>,
    return
  }
  func.func @transform_0(%arg0: i32) -> (i32, i32) {
    %c0_i32 = arith.constant 0 : i32
    %c0_i32_0 = arith.constant 0 : i32
    return %arg0, %c0_i32 : i32, i32
  }
  func.func @transform_1(%arg0: i32) -> (i32, i32) {
    %c0_i32 = arith.constant 0 : i32
    %c0_i32_0 = arith.constant 0 : i32
    return %arg0, %c0_i32 : i32, i32
  }
  func.func @transform_2(%arg0: i32) -> (i32, i32) {
    %c0_i32 = arith.constant 0 : i32
    %c0_i32_0 = arith.constant 0 : i32
    %c0_i32_1 = arith.constant 0 : i32
    return %c0_i32, %c0_i32_0 : i32, i32
  }
  func.func @transform_3(%arg0: i32) -> (i32, i32) {
    %c0_i32 = arith.constant 0 : i32
    %c0_i32_0 = arith.constant 0 : i32
    %c0_i32_1 = arith.constant 0 : i32
    return %c0_i32, %c0_i32_0 : i32, i32
  }
  func.func @transform_4(%arg0: i32) -> (i32, i32) {
    %c0_i32 = arith.constant 0 : i32
    %c0_i32_0 = arith.constant 0 : i32
    %c0_i32_1 = arith.constant 0 : i32
    return %c0_i32, %c0_i32_0 : i32, i32
  }
  func.func @transform_5(%arg0: i32) -> (i32, i32, i32) {
    %c0_i32 = arith.constant 0 : i32
    %c0_i32_0 = arith.constant 0 : i32
    %c0_i32_1 = arith.constant 0 : i32
    return %c0_i32, %arg0, %c0_i32_0 : i32, i32, i32
  }
}

module attributes {stable_mosaic.version = 14 : i64} {
  func.func @_k4_body(%arg0: i32, %arg1: memref<2x1000x144xf32, #tpu.memory_space<vmem>>, %arg2: memref<1000x128xf32, #tpu.memory_space<vmem>>, %arg3: memref<256x128xf32, #tpu.memory_space<vmem>>, %arg4: memref<8x256xf32, #tpu.memory_space<vmem>>, %arg5: memref<1000x128xf32, #tpu.memory_space<vmem>>) attributes {dimension_semantics = [#tpu.dimension_semantics<arbitrary>], iteration_bounds = array<i64: 10>, scalar_prefetch = 0 : i64, scratch_operands = 0 : i64, tpu.core_type = #tpu.core_type<tc>, window_params = [{transform_indices = @transform_0, window_bounds = array<i64: 2, 1000, 144>}, {transform_indices = @transform_1, window_bounds = array<i64: 1000, 128>}, {pipeline_mode = #tpu.pipeline_mode<synchronous>, transform_indices = @transform_2, window_bounds = array<i64: 256, 128>}, {pipeline_mode = #tpu.pipeline_mode<synchronous>, transform_indices = @transform_3, window_bounds = array<i64: 8, 256>}, {transform_indices = @transform_4, window_bounds = array<i64: 1000, 128>}]} {
    %get3A = arith.constant 0 : index
    %get3A_0 = arith.constant 0 : index
    %get3A_1 = arith.constant 0 : index
    %get3A_2 = vector.load %arg1[%get3A, %get3A_0, %get3A_1] : memref<2x1000x144xf32, #tpu.memory_space<vmem>>, vector<1x1000x144xf32>
    %get3A_3 = vector.shape_cast %get3A_2 : vector<1x1000x144xf32> to vector<1000x144xf32>
    %get3A_4 = arith.constant 1 : index
    %get3A_5 = arith.constant 0 : index
    %get3A_6 = arith.constant 0 : index
    %get3A_7 = vector.load %arg1[%get3A_4, %get3A_5, %get3A_6] : memref<2x1000x144xf32, #tpu.memory_space<vmem>>, vector<1x1000x144xf32>
    %get3A_8 = vector.shape_cast %get3A_7 : vector<1x1000x144xf32> to vector<1000x144xf32>
    %slice3A = vector.extract_strided_slice %get3A_3 {offsets = [0, 0], sizes = [1000, 128], strides = [1, 1]} : vector<1000x144xf32> to vector<1000x128xf32>
    %slice3A_9 = vector.extract_strided_slice %get3A_8 {offsets = [0, 0], sizes = [1000, 128], strides = [1, 1]} : vector<1000x144xf32> to vector<1000x128xf32>
    %concatenate3A = tpu.concatenate %slice3A, %slice3A_9 in 1 : vector<1000x128xf32>, vector<1000x128xf32> -> vector<1000x256xf32>
    %slice3A_10 = vector.extract_strided_slice %get3A_3 {offsets = [0, 128], sizes = [1000, 4], strides = [1, 1]} : vector<1000x144xf32> to vector<1000x4xf32>
    %slice3A_11 = vector.extract_strided_slice %get3A_8 {offsets = [0, 128], sizes = [1000, 4], strides = [1, 1]} : vector<1000x144xf32> to vector<1000x4xf32>
    %concatenate3A_12 = tpu.concatenate %slice3A_10, %slice3A_11 in 1 : vector<1000x4xf32>, vector<1000x4xf32> -> vector<1000x8xf32>
    %get3A_13 = arith.constant 0 : index
    %get3A_14 = arith.constant 0 : index
    %get3A_15 = vector.load %arg4[%get3A_13, %get3A_14] : memref<8x256xf32, #tpu.memory_space<vmem>>, vector<8x256xf32>
    %dot_general3A = arith.constant dense<0.000000e+00> : vector<1000x256xf32>
    %dot_general3A_16 = tpu.matmul %concatenate3A_12, %get3A_15, %dot_general3A {dimension_numbers = #tpu.dot_dimension_numbers<[1], [0], [0], [1], [0, 0, 1, 1], [], []>, transpose_lhs_hint = false} : vector<1000x8xf32>, vector<8x256xf32>, vector<1000x256xf32> -> vector<1000x256xf32>
    %add3A = arith.constant 1.000000e-16 : f32
    %add3A_17 = vector.broadcast %add3A : f32 to vector<1000x256xf32>
    %add3A_18 = arith.addf %dot_general3A_16, %add3A_17 : vector<1000x256xf32>
    %div3A = arith.divf %concatenate3A, %add3A_18 : vector<1000x256xf32>
    %get3A_19 = arith.constant 0 : index
    %get3A_20 = arith.constant 0 : index
    %get3A_21 = vector.load %arg3[%get3A_19, %get3A_20] : memref<256x128xf32, #tpu.memory_space<vmem>>, vector<256x128xf32>
    %dot_general3A_22 = arith.constant dense<0.000000e+00> : vector<1000x128xf32>
    %dot_general3A_23 = tpu.matmul %div3A, %get3A_21, %dot_general3A_22 {dimension_numbers = #tpu.dot_dimension_numbers<[1], [0], [0], [1], [0, 0, 1, 1], [], []>, transpose_lhs_hint = false} : vector<1000x256xf32>, vector<256x128xf32>, vector<1000x128xf32> -> vector<1000x128xf32>
    %get3A_24 = arith.constant 0 : index
    %get3A_25 = arith.constant 0 : index
    %get3A_26 = vector.load %arg2[%get3A_24, %get3A_25] : memref<1000x128xf32, #tpu.memory_space<vmem>>, vector<1000x128xf32>
    %add3A_27 = arith.addf %get3A_26, %dot_general3A_23 : vector<1000x128xf32>
    %swap3A = arith.constant 0 : index
    %swap3A_28 = arith.constant 0 : index
    %swap3A_29 = vector.load %arg5[%swap3A, %swap3A_28] : memref<1000x128xf32, #tpu.memory_space<vmem>>, vector<1000x128xf32>
    tpu.vector_store %arg5[%swap3A, %swap3A_28], %add3A_27 {strides = array<i32>} : memref<1000x128xf32, #tpu.memory_space<vmem>>, vector<1000x128xf32>,
    return
  }
  func.func @transform_0(%arg0: i32) -> (i32, i32, i32) {
    %c0_i32 = arith.constant 0 : i32
    %c0_i32_0 = arith.constant 0 : i32
    %c0_i32_1 = arith.constant 0 : i32
    return %c0_i32, %arg0, %c0_i32_0 : i32, i32, i32
  }
  func.func @transform_1(%arg0: i32) -> (i32, i32) {
    %c0_i32 = arith.constant 0 : i32
    %c0_i32_0 = arith.constant 0 : i32
    return %arg0, %c0_i32 : i32, i32
  }
  func.func @transform_2(%arg0: i32) -> (i32, i32) {
    %c0_i32 = arith.constant 0 : i32
    %c0_i32_0 = arith.constant 0 : i32
    %c0_i32_1 = arith.constant 0 : i32
    return %c0_i32, %c0_i32_0 : i32, i32
  }
  func.func @transform_3(%arg0: i32) -> (i32, i32) {
    %c0_i32 = arith.constant 0 : i32
    %c0_i32_0 = arith.constant 0 : i32
    %c0_i32_1 = arith.constant 0 : i32
    return %c0_i32, %c0_i32_0 : i32, i32
  }
  func.func @transform_4(%arg0: i32) -> (i32, i32) {
    %c0_i32 = arith.constant 0 : i32
    %c0_i32_0 = arith.constant 0 : i32
    return %arg0, %c0_i32 : i32, i32
  }
}

</mosaic_0001>

<sc_bundles>
// kernel: kernel.11.cloned.1.call-start
scs
__scs_entry_jumppad:
0x0: {  	(pc) =	sbr.rel $0x88, $3  }
0x1: {  	(tag) =	ssettag $0x0;
	lr =	simm.s32 $0x1  }
0x2: {  	[smem:$0x3F97] =	sst lr;
	_ =	strace $0xD0000000  }
0x3: {  	_ = 	snop  }
0x4: {  	_ = 	snop  }
0x5: {  	_ = 	snop  }
0x6: {  	_ = 	snop  }
0x7: {  	_ = 	snop  }
__scs_overlays_trampoline_lowered:
0x8: {  	[smem:$0x3FA6] =	sst s0  }
0x9: {  	[smem:$0x3FA7] =	sst s1  }
0xa: {  	[smem:$0x3FA8] =	sst s2  }
0xb: {  	[smem:$0x3FA9] =	sst s3  }
0xc: {  	[smem:$0x3FAA] =	sst s4  }
0xd: {  	[smem:$0x3FAB] =	sst s5  }
0xe: {  	[smem:$0x3FAC] =	sst s6  }
0xf: {  	[smem:$0x3FAD] =	sst s7  }
0x10: {  	[smem:$0x3FAE] =	sst s8  }
0x11: {  	[smem:$0x3FAF] =	sst s9;
	s0 =	simm.s32 @!p0 $0x0  }
0x12: {  	s1 =	sld [smem:$0x3F95];
	s0 =	simm.s32 @p0 $0x1  }
0x13: {  	[smem:$0x3FB0] =	sst s0;
	s0 =	simm.s32 @!p1 $0x0  }
0x14: {  	s2 =	sld [smem:$0x3F94];
	s0 =	simm.s32 @p1 $0x1  }
0x15: {  	[smem:$0x3FB1] =	sst s0;
	s0 =	simm.s32 @!p2 $0x0  }
0x16: {  	s3 =	sld [smem:$0x3FDB];
	s0 =	simm.s32 @p2 $0x1  }
0x17: {  	s4 =	simm.s32 $0x1BF5;
	[smem:$0x3FB3] =	sst s0  }
0x18: {  	s0 =	sld [smem:$0x3F96];
	_ =	swait.ge [sflag:s4], $0x0  }
0x19: {  	s7 =	sld [smem:$0x3F97]  }
0x1a: {  	s8 =	sadd.s32 $0xFFFFE003, lr  }
0x1b: {  	s9 =	sadd.s32 $0xFFFFFEF7, lr;
	s5 =	simm.s32 $0xFFFFFFFF;
	p2 =	slt.u32 s8, $0xFFFFF086  }
0x1c: {  	p1 =	slt.u32 s9, $0xF7A;
	s5 =	simm.s32 @!p2 $0x0  }
0x1d: {  	s5 =	simm.s32 @p1 $0x1;
	p0 =	seq.s32 s7, s2  }
0x1e: {  	s7 =	smul.u32 @!p0 $0xF7A, s2;
	p2 =	seq.s32 @!p0 s5, $0x0  }
0x1f: {  	s9 =	smul.u32 $0xF7A, s1;
	s8 =	simm.s32 @!p0 $0x1BF5;
	p2 =	por !p2, p0  }
0x20: {  	[sflag:s8] =	ssyncset.s32 @!p0 $0xFFFFF086;
	s6 =	sadd.s32 @!p0 s3, s7;
	s7 =	simm.s32 @!p0 $0x108  }
0x21: {  	s3 =	sadd.s32 s3, s9;
	s6 =	sadd.s32 @!p0 $0x88, s6;
	s7 =	simm.s32 @p2 $0x1082  }
0x22: {  	[simem:s7], [sflag:s8] =	dma.local @!p0 [hbm:s6], $0xF7A  }
0x23: {  	s9 =	sor.u32 $0xD0000000, s2;
	s6 =	simm.s32 $0x108;
	_ =	swait.ge @!p0 [sflag:s8], $0x0  }
0x24: {  	s3 =	sadd.s32 $0x88, s3;
	s6 =	simm.s32 @!p1 $0x1082;
	[sflag:s4] =	ssyncset.s32 $0xFFFFF086  }
0x25: {  	[simem:s6], [sflag:s4] =	dma.local [hbm:s3], $0xF7A  }
0x26: {  	[smem:$0x3F97] =	sst s1;
	(tag) =	ssettag s2;
	_ =	strace s9  }
0x27: {  	s1 =	sld [smem:$0x3FA7]  }
0x28: {  	s2 =	sld [smem:$0x3FA8]  }
0x29: {  	s4 =	sld [smem:$0x3FAA]  }
0x2a: {  	p0 =	seq.s32 s5, $0x0;
	s5 =	sld [smem:$0x3FAB]  }
0x2b: {  	s6 =	sld [smem:$0x3FAC]  }
0x2c: {  	s7 =	sld [smem:$0x3FAD]  }
0x2d: {  	s3 =	simm.s32 $0x108;
	s8 =	sld [smem:$0x3FAE]  }
0x2e: {  	s3 =	simm.s32 @!p0 $0x1082;
	s9 =	sld [smem:$0x3FAF]  }
0x2f: {  	lr =	sadd.s32 s0, s3;
	s0 =	sld [smem:$0x3FA6]  }
0x30: {  	s3 =	sld [smem:$0x3FA9]  }
0x31: {  	[smem:$0x3FB2] =	sst s10  }
0x32: {  	s10 =	sld [smem:$0x3FB0];
	_ =	sdelay $0x3  }
0x33: {  	p0 =	seq.s32 s10, $0x1;
	s10 =	sld [smem:$0x3FB2];
	_ =	sdelay $0x3  }
0x34: {  	[smem:$0x3FB2] =	sst s10  }
0x35: {  	s10 =	sld [smem:$0x3FB1];
	_ =	sdelay $0x3  }
0x36: {  	p1 =	seq.s32 s10, $0x1;
	s10 =	sld [smem:$0x3FB2];
	_ =	sdelay $0x3  }
0x37: {  	[smem:$0x3FB2] =	sst s10  }
0x38: {  	s10 =	sld [smem:$0x3FB3]  }
0x39: {  	_ = 	snop;
	(pc) =	sbr.ind lr, $3  }
0x3a: {  	_ = 	snop  }
0x3b: {  	_ = 	snop  }
0x3c: {  	p2 =	seq.s32 s10, $0x1;
	s10 =	sld [smem:$0x3FB2]  }
0x3d: {  	_ =	shalt  }
0x3e: {  	_ =	shalt  }
0x3f: {  	_ =	shalt  }
0x40: {  	_ =	shalt  }
0x41: {  	_ =	shalt  }
0x42: {  	_ =	shalt  }
0x43: {  	_ =	shalt  }
0x44: {  	_ =	shalt  }
0x45: {  	_ =	shalt  }
0x46: {  	_ =	shalt  }
0x47: {  	_ =	shalt  }
0x48: {  	_ =	shalt  }
0x49: {  	_ =	shalt  }
0x4a: {  	_ =	shalt  }
0x4b: {  	_ =	shalt  }
0x4c: {  	_ =	shalt  }
0x4d: {  	_ =	shalt  }
0x4e: {  	_ =	shalt  }
0x4f: {  	_ =	shalt  }
0x50: {  	_ =	shalt  }
0x51: {  	_ =	shalt  }
0x52: {  	_ =	shalt  }
0x53: {  	_ =	shalt  }
0x54: {  	_ =	shalt  }
0x55: {  	_ =	shalt  }
0x56: {  	_ =	shalt  }
0x57: {  	_ =	shalt  }
0x58: {  	_ =	shalt  }
0x59: {  	_ =	shalt  }
0x5a: {  	_ =	shalt  }
0x5b: {  	_ =	shalt  }
0x5c: {  	_ =	shalt  }
0x5d: {  	_ =	shalt  }
0x5e: {  	_ =	shalt  }
0x5f: {  	_ =	shalt  }
0x60: {  	_ =	shalt  }
0x61: {  	_ =	shalt  }
0x62: {  	_ =	shalt  }
0x63: {  	_ =	shalt  }
0x64: {  	_ =	shalt  }
0x65: {  	_ =	shalt  }
0x66: {  	_ =	shalt  }
0x67: {  	_ =	shalt  }
0x68: {  	_ =	shalt  }
0x69: {  	_ =	shalt  }
0x6a: {  	_ =	shalt  }
0x6b: {  	_ =	shalt  }
0x6c: {  	_ =	shalt  }
0x6d: {  	_ =	shalt  }
0x6e: {  	_ =	shalt  }
0x6f: {  	_ =	shalt  }
0x70: {  	_ =	shalt  }
0x71: {  	_ =	shalt  }
0x72: {  	_ =	shalt  }
0x73: {  	_ =	shalt  }
0x74: {  	_ =	shalt  }
0x75: {  	_ =	shalt  }
0x76: {  	_ =	shalt  }
0x77: {  	_ =	shalt  }
0x78: {  	_ =	shalt  }
0x79: {  	_ =	shalt  }
0x7a: {  	_ =	shalt  }
0x7b: {  	_ =	shalt  }
0x7c: {  	_ =	shalt  }
0x7d: {  	_ =	shalt  }
0x7e: {  	_ =	shalt  }
0x7f: {  	_ =	shalt  }
0x80: {  	_ =	shalt  }
0x81: {  	_ =	shalt  }
0x82: {  	_ =	shalt  }
0x83: {  	_ =	shalt  }
0x84: {  	_ =	shalt  }
0x85: {  	_ =	shalt  }
0x86: {  	_ =	shalt  }
0x87: {  	_ =	shalt  }
.Lfunc_end0:
.L_simem_size_0:
called_computation.1_lowered:
.L_overlay_start_0:
0x88: {  	s2 =	sld [smem:$0x3FD9]  }
0x89: {  	s3 =	sld [smem:$0x3FFE];
	_ =	sdelay $0x1  }
0x8a: {  	s1 =	srdreg.scid  }
0x8b: {  	s0 =	sand.u32 $0x1, s1  }
0x8c: {  	s16 =	sshll.u32 s0, $0xA;
	s2 =	sadd.s32 s3, s2  }
0x8d: {  	s2 =	sadd.s32 s2, s16  }
0x8e: {  	[smem:$0x3FBE] =	sst s2  }
0x8f: {  	_ = 	snop  }
0x90: {  	(tm) =	ssettm $0x1  }
0x91: {  	s17 =	sld [smem:$0x3FFB];
	_ =	sdelay $0x3  }
0x92: {  	_ =	strace s17  }
0x93: {  	s2 =	sld [smem:$0x3FFC];
	_ =	sdelay $0x3  }
0x94: {  	_ =	strace s2  }
0x95: {  	s2 =	sld [smem:$0x3FFD];
	_ =	sdelay $0x3  }
0x96: {  	_ =	strace s2  }
0x97: {  	_ =	strace $0x8FFFFFFF  }
0x98: {  	s18 =	sld [smem:$0x3FDB];
	_ =	sdelay $0x1  }
0x99: {  	s19 =	simm.s32 $_scs_section_size  }
0x9a: {  	s4 =	simm.s32 $_size__tile_overlayer_lowered;
	s5 =	simm.s32 $_tile_overlayer_lowered  }
0x9b: {  	s22 =	simm.s32 $0x1BFF;
	s21 =	sshll.u32 s5, $0x1;
	s2 =	sadd.s32 s19, s18  }
0x9c: {  	s6 =	simm.s32 $0x0;
	s20 =	sshll.u32 s4, $0x1;
	s4 =	sadd.s32 s21, s2  }
0x9d: {  	[timem:s6], [sflag:s22] =	dma.local [hbm:s4], s20  }
0x9e: {  	_ =	swait.ge [sflag:s22], s20  }
0x9f: {  	s3 =	ssub.s32 $0x0, s20;
	[sflag:s22] =	ssyncset.done $0x0  }
0xa0: {  	[sflag:s22] =	ssyncadd.s32 s3;
	_ =	sdelay $0x1  }
0xa1: {  	s23 =	simm.s32 $0x1B8B  }
0xa2: {  	_ =	swait.ge [sflag:s23], $0x1  }
0xa3: {  	[sflag:s23] =	ssyncset.done $0x0  }
0xa4: {  	s25 =	simm.s32 $0x1B8E;
	s24 =	sld [smem:$0x3FFE];
	[sflag:s23] =	ssyncadd.s32 $0xFFFFFFFF  }
0xa5: {  	s26 =	simm.s32 $execute0_lowered;
	[smem:$0x3FD2] =	sst s25  }
0xa6: {  	s4 =	sshll.u32 s26, $0x1;
	_ =	strace $0x80000049;
	[dreg:$0x1] =	wrdreg $0xFFFFFFFF  }
0xa7: {  	s28 =	simm.s32 $_size_execute0_lowered;
	s2 =	sadd.s32 s2, s4;
	[dreg:$0x0] =	wrdreg $0x0  }
0xa8: {  	s4 =	sshll.u32 s28, $0x1;
	[dreg:$0x2] =	wrdreg s2  }
0xa9: {  	[dreg:$0x3] =	wrdreg s4  }
0xaa: {  	[dreg:$0x4] =	wrdreg $0xC0  }
0xab: {  	_ =	task [dreg:s6], $0x5FFFF  }
0xac: {  	[dreg:$0x1] =	wrdreg $0xFFFFFFFF  }
0xad: {  	[dreg:$0x0] =	wrdreg $0x60  }
0xae: {  	[dreg:$0x2] =	wrdreg s24  }
0xaf: {  	[dreg:$0x3] =	wrdreg $0x0  }
0xb0: {  	[dreg:$0x4] =	wrdreg $0x9  }
0xb1: {  	_ =	task.clear_ibuf [dreg:s6], $0x5FFFF;
	_ =	strace $0x90000049  }
0xb2: {  	s29 =	simm.s32 $0x9;
	_ =	strace $0x8000004B  }
0xb3: {  	_ =	swait.ge [sflag:s29], $0x1  }
0xb4: {  	[sflag:s29] =	ssyncadd.s32 $0xFFFFFFFF  }
0xb5: {  	_ =	strace $0x9000004B  }
0xb6: {  	_ =	sfence  }
0xb7: {  	s30 =	sld [smem:$0x0];
	_ =	sdelay $0x2  }
0xb8: {  	s31 =	sshll.u32 s1, $0xD;
	s1 =	sshrl.u32 s1, $0x2  }
0xb9: {  	s3 =	sand.u32 $0x4000, s31;
	s1 =	sadd.s32 s1, s30  }
0xba: {  	s0 =	sor.u32 s3, s0;
	s1 =	sshll.u32 s1, $0x11  }
0xbb: {  	s0 =	sor.u32 s1, s0  }
0xbc: {  	s0 =	sadd.s32 $0x8F2B, s0  }
0xbd: {  	[sflag:s0] =	ssyncadd.remote.s32 $0x1  }
0xbe: {  	_ =	sfence.sel $0xFFFF  }
0xbf: {  	[dreg:$0x0] =	wrdreg $0xFFFFFFFF;
	(pc) =	sbr.abs _section_cstart, $3  }
0xc0: {  	[dreg:$0x1] =	wrdreg $0xFFFFFFFF  }
0xc1: {  	_ =	task.clear_ibuf [dreg:s6], $0x2FFFF;
	_ =	strace $0x9FFFFFFF  }
0xc2: {  	(tm) =	ssettm $0x7FFFFFFF  }
0xc3: {  	_ =	shalt  }
tec
execute0_lowered:
.L_overlay_start_1:
0x0: {  	(tag) =	ssettag $0x1  }
0x1: {  	s4 =	rddreg [dreg:$0x0]  }
0x2: {  	s0 =	srdreg.scid;
	s2 =	rddreg [dreg:$0x1]  }
0x3: {  	s1 =	rddreg [dreg:$0x2];
	s5 =	sand.u32 $0x1, s0  }
0x4: {  	s3 =	simm.s32 $0x0;
	s0 =	stileid.u32;
	s6 =	smul.u32 $0x15F9000, s5  }
0x5: {  	s16 =	simm.s32 $0x16850;
	s17 =	simm.s32 $0x1;
	s7 =	smul.u32 $0x15F900, s0  }
0x6: {  	s18 =	simm.s32 $0x16800;
	s19 =	simm.s32 $0x50;
	s25 =	smul.u32 $0x168000, s5  }
0x7: {  	s22 =	simm.s32 $0x0;
	[smem:$0x7FF] =	sst s3;
	s8 =	smul.u32 $0x16800, s0  }
0x8: {  	_ =	strace $0x8000004A;
	s26 =	smul.u32 $0x4E2, s0;
	s5 =	ssub.s32 $0x2, s5  }
0x9: {  	s9 =	smul.u32 $0x5A000, s0;
	s20 =	sshll.u32 s0, $0x6;
	s29 =	sshrl.u32 s5, $0x1  }
0xa: {  	s20 =	sor.u32 $0x1C01, s20;
	s6 =	sadd.s32 s7, s6;
	s7 =	sadd.s32 s8, s25  }
0xb: {  	s14 =	sadd.s32 s26, s4;
	s30 =	ssub.s32 s5, s29;
	s31 =	sshrl.u32 s9, $0x2  }
0xc: {  	s21 =	sadd.s32 s8, s2;
	s6 =	sshrl.u32 s6, $0x3;
	s28 =	sshrl.u32 s7, $0x3  }
0xd: {  	s5 =	sadd.s32 s31, s2;
	s14 =	sadd.s32 $0x8C00, s14;
	s21 =	sshrl.u32 s21, $0x3  }
0xe: {  	s15 =	sadd.s32 s6, s4;
	s4 =	sadd.s32 s28, s4;
	s6 =	smax.u32 s30, $0x1  }
0xf: {  	s7 =	sadd.s32 $0x2D00, s5;
	s8 =	sadd.s32 $0x5A00, s5;
	s9 =	sadd.s32 $0x8700, s5  }
0x10: {  	s10 =	sadd.s32 $0xB400, s5;
	s11 =	sadd.s32 $0xE100, s5;
	s12 =	sadd.s32 $0x10E00, s5  }
0x11: {  	v0 =	vimm.f32 $0.0e+00;
	s13 =	sadd.s32 $0x13B00, s5;
	s4 =	sadd.s32 $0xDC00, s4;
	s15 =	sadd.s32 $0xEB4000, s15  }
.LBB2_1:
0x12: {  	s23 =	simm.s32 $0x80;
	s24 =	simm.s32 $0x440  }
.LBB2_2:
0x13: {  	p0 =	sne.s32 s24, $0xB3C0;
	[tilespmem:s23+$0x16850] =	vst v0  }
0x14: {  	[tilespmem:s23+$0x167D0] =	vst v0  }
0x15: {  	[tilespmem:s23+$0x167E0] =	vst v0  }
0x16: {  	[tilespmem:s23+$0x167F0] =	vst v0  }
.Ltmp0:
0x17: {  	[tilespmem:s23+$0x16800] =	vst v0;
	(pc) =	sbr.rel @p0 .LBB2_2-.Ltmp0, $4  }
0x18: {  	[tilespmem:s23+$0x16810] =	vst v0  }
0x19: {  	[tilespmem:s23+$0x16820] =	vst v0  }
0x1a: {  	[tilespmem:s23+$0x16830] =	vst v0  }
0x1b: {  	[tilespmem:s23+$0x16840] =	vst v0;
	s23 =	sshra.s32 s24, $0x2;
	s24 =	sadd.s32 $0x240, s24  }
0x1c: {  	[tilespmem:s23+$0x16850] =	vst v0  }
0x1d: {  	[tilespmem:s23+$0x167D0] =	vst v0  }
0x1e: {  	[tilespmem:s23+$0x167E0] =	vst v0  }
0x1f: {  	[tilespmem:s23+$0x167F0] =	vst v0  }
0x20: {  	[tilespmem:s23+$0x16800] =	vst v0  }
0x21: {  	[tilespmem:s23+$0x16810] =	vst v0  }
0x22: {  	[tilespmem:s23+$0x16820] =	vst v0  }
0x23: {  	[tilespmem:s23+$0x16830] =	vst v0  }
0x24: {  	[tilespmem:s23+$0x16840] =	vst v0  }
0x25: {  	[spmem:s5] =	stream.linear.scatter [tilespmem:s16], [sflag:$0x1], $0x2D00, $0x38;
	[tilespmem:$0x19550] =	vst v63  }
0x26: {  	_ =	swait.ge [sflag:s17], $0x2D00  }
0x27: {  	[sflag:s17] =	ssyncset.done $0x0  }
0x28: {  	[sflag:s17] =	ssyncadd.s32 $0xFFFFD300  }
0x29: {  	[spmem:s7] =	stream.linear.scatter [tilespmem:s16], [sflag:$0x1], $0x2D00, $0x38;
	[tilespmem:$0x19550] =	vst v63  }
0x2a: {  	_ =	swait.ge [sflag:s17], $0x2D00  }
0x2b: {  	[sflag:s17] =	ssyncset.done $0x0  }
0x2c: {  	[sflag:s17] =	ssyncadd.s32 $0xFFFFD300  }
0x2d: {  	[spmem:s8] =	stream.linear.scatter [tilespmem:s16], [sflag:$0x1], $0x2D00, $0x38;
	[tilespmem:$0x19550] =	vst v63  }
0x2e: {  	_ =	swait.ge [sflag:s17], $0x2D00  }
0x2f: {  	[sflag:s17] =	ssyncset.done $0x0  }
0x30: {  	[sflag:s17] =	ssyncadd.s32 $0xFFFFD300  }
0x31: {  	[spmem:s9] =	stream.linear.scatter [tilespmem:s16], [sflag:$0x1], $0x2D00, $0x38;
	[tilespmem:$0x19550] =	vst v63  }
0x32: {  	_ =	swait.ge [sflag:s17], $0x2D00  }
0x33: {  	[sflag:s17] =	ssyncset.done $0x0  }
0x34: {  	[sflag:s17] =	ssyncadd.s32 $0xFFFFD300  }
0x35: {  	[spmem:s10] =	stream.linear.scatter [tilespmem:s16], [sflag:$0x1], $0x2D00, $0x38;
	[tilespmem:$0x19550] =	vst v63  }
0x36: {  	_ =	swait.ge [sflag:s17], $0x2D00  }
0x37: {  	[sflag:s17] =	ssyncset.done $0x0  }
0x38: {  	[sflag:s17] =	ssyncadd.s32 $0xFFFFD300  }
0x39: {  	[spmem:s11] =	stream.linear.scatter [tilespmem:s16], [sflag:$0x1], $0x2D00, $0x38;
	[tilespmem:$0x19550] =	vst v63  }
0x3a: {  	_ =	swait.ge [sflag:s17], $0x2D00  }
0x3b: {  	[sflag:s17] =	ssyncset.done $0x0  }
0x3c: {  	[sflag:s17] =	ssyncadd.s32 $0xFFFFD300  }
0x3d: {  	[spmem:s12] =	stream.linear.scatter [tilespmem:s16], [sflag:$0x1], $0x2D00, $0x38;
	[tilespmem:$0x19550] =	vst v63  }
0x3e: {  	_ =	swait.ge [sflag:s17], $0x2D00  }
0x3f: {  	[sflag:s17] =	ssyncset.done $0x0  }
0x40: {  	[sflag:s17] =	ssyncadd.s32 $0xFFFFD300  }
0x41: {  	[spmem:s13] =	stream.linear.scatter [tilespmem:s16], [sflag:$0x1], $0x2D00, $0x38;
	[tilespmem:$0x19550] =	vst v63  }
0x42: {  	_ =	swait.ge [sflag:s17], $0x2D00  }
0x43: {  	[sflag:s17] =	ssyncset.done $0x0  }
0x44: {  	[sflag:s17] =	ssyncadd.s32 $0xFFFFD300  }
0x45: {  	s31 =	sadd.s32 $0x0, s14;
	[bflag:$0x0] =	sbarrier.arrive $0xFFFF  }
0x46: {  	[tilespmem:s18], [sflag:$0x1] =	stream.linear.gather [hbm4b:s31+s3], $0x50, $0x38;
	[tilespmem:$0x19550] =	vst v63  }
0x47: {  	_ =	swait.ge [sflag:s17], $0x50  }
0x48: {  	[sflag:s17] =	ssyncset.done $0x0  }
0x49: {  	[sflag:s17] =	ssyncadd.s32 $0xFFFFFFB0  }
0x4a: {  	[tilespmem:s16], [sflag:$0x1] =	stream.linear.gather [hbm4b:s15+s3], $0x2D00, $0x38;
	[tilespmem:$0x19550] =	vst v63  }
0x4b: {  	_ =	swait.ge [sflag:s17], $0x2D00  }
0x4c: {  	[sflag:s17] =	ssyncset.done $0x0  }
0x4d: {  	[sflag:s17] =	ssyncadd.s32 $0xFFFFD300  }
0x4e: {  	[spmem:s2] =	stream.indirect.scatter.add.f32 [tilespmem:s16], [sflag:$0x1], $0x90, s18, s19, $0xb8;
	[tilespmem:$0x19550] =	vst v63  }
0x4f: {  	s24 =	simm.s32 $0xA;
	_ =	swait.ge [sflag:s17], $0x2D00  }
0x50: {  	s25 =	simm.s32 $0x14;
	s23 =	sadd.s32 $0x5A0, s15;
	[sflag:s17] =	ssyncset.done $0x0  }
.LBB2_4:
0x51: {  	s26 =	sadd.s32 s24, s14  }
0x52: {  	[sflag:s17] =	ssyncadd.s32 $0xFFFFD300;
	s24 =	smov.u32 s25;
	s28 =	sadd.s32 $0xA, s25  }
0x53: {  	[tilespmem:s18], [sflag:$0x1] =	stream.linear.gather [hbm4b:s26+s3], $0x50, $0x38;
	[tilespmem:$0x19550] =	vst v63  }
0x54: {  	p0 =	sne.s32 s25, $0x4D8;
	_ =	swait.ge [sflag:s17], $0x50  }
0x55: {  	[sflag:s17] =	ssyncset.done $0x0  }
0x56: {  	[sflag:s17] =	ssyncadd.s32 $0xFFFFFFB0  }
0x57: {  	[tilespmem:s16], [sflag:$0x1] =	stream.linear.gather [hbm4b:s23+s3], $0x2D00, $0x38;
	[tilespmem:$0x19550] =	vst v63  }
0x58: {  	_ =	swait.ge [sflag:s17], $0x2D00  }
.Ltmp1:
0x59: {  	[sflag:s17] =	ssyncset.done $0x0;
	(pc) =	sbr.rel @p0 .LBB2_4-.Ltmp1, $4  }
0x5a: {  	[sflag:s17] =	ssyncadd.s32 $0xFFFFD300  }
0x5b: {  	[spmem:s2] =	stream.indirect.scatter.add.f32 [tilespmem:s16], [sflag:$0x1], $0x90, s18, s19, $0xb8;
	[tilespmem:$0x19550] =	vst v63  }
0x5c: {  	_ =	swait.ge [sflag:s17], $0x2D00  }
0x5d: {  	s25 =	smov.u32 s28;
	s23 =	sadd.s32 $0x5A0, s23;
	[sflag:s17] =	ssyncset.done $0x0  }
0x5e: {  	s24 =	sadd.s32 s24, s14;
	[sflag:s17] =	ssyncadd.s32 $0xFFFFD300  }
0x5f: {  	[tilespmem:s18], [sflag:$0x1] =	stream.linear.gather [hbm4b:s24+s3], $0x50, $0x38;
	[tilespmem:$0x19550] =	vst v63  }
0x60: {  	_ =	swait.ge [sflag:s17], $0x50  }
0x61: {  	[sflag:s17] =	ssyncset.done $0x0  }
0x62: {  	[sflag:s17] =	ssyncadd.s32 $0xFFFFFFB0  }
0x63: {  	[tilespmem:s16], [sflag:$0x1] =	stream.linear.gather [hbm4b:s23+s3], $0x2D00, $0x38;
	[tilespmem:$0x19550] =	vst v63  }
0x64: {  	_ =	swait.ge [sflag:s17], $0x2D00  }
0x65: {  	[sflag:s17] =	ssyncset.done $0x0  }
0x66: {  	[sflag:s17] =	ssyncadd.s32 $0xFFFFD300  }
0x67: {  	[spmem:s2] =	stream.indirect.scatter.add.f32 [tilespmem:s16], [sflag:$0x1], $0x90, s18, s19, $0xb8;
	[tilespmem:$0x19550] =	vst v63  }
0x68: {  	_ =	swait.ge [sflag:s17], $0x2D00  }
0x69: {  	s22 =	sadd.s32 $0x1, s22;
	[sflag:s17] =	ssyncset.done $0x0  }
0x6a: {  	p0 =	sne.s32 s22, s6;
	[sflag:s17] =	ssyncadd.s32 $0xFFFFD300  }
.Ltmp2:
0x6b: {  	[bflag:$0x0] =	sbarrier.arrive $0xFFFF;
	(pc) =	sbr.rel @p0 .LBB2_1-.Ltmp2, $4  }
0x6c: {  	[hbm:s4], [sflag:s20] =	dma.local [spmem:s21], $0x2D00  }
0x6d: {  	_ =	swait.ge [sflag:s17], $0x2D00  }
0x6e: {  	[sflag:s17] =	ssyncset.done $0x0  }
0x6f: {  	[sflag:s17] =	ssyncadd.s32 $0xFFFFD300  }
0x70: {  	_ =	sfence.sel $0x180000  }
0x71: {  	[bflag:$0x0] =	sbarrier.arrive $0xFFFF  }
0x72: {  	p0 =	sne.s32 s0, $0x0;
	_ =	strace $0x9000004A  }
0x73: {  	s0 =	sadd.s32 @!p0 $0x100000, s1;
	[bflag:$0x2] =	sbarrier.arrive $0xFFFF  }
0x74: {  	[sflag:s0] =	ssyncadd.tile.s32 @!p0 $0x1;
	_ =	shalt  }
.Lfunc_end2:
_tile_overlayer_lowered:
.L_overlay_start_2:
0x75: {  	(tag) =	ssettag $0x2  }
0x76: {  	s0 =	rddreg [dreg:$0x0];
	s2 =	stileid.u32  }
0x77: {  	s1 =	rddreg [dreg:$0x1];
	p0 =	sne.s32 s2, $0x0  }
0x78: {  	s3 =	rddreg [dreg:$0x2];
	[bflag:$0x3] =	sbarrier.arrive $0xFFFF;
	s2 =	simm.s32 @!p0 $0x1C01  }
0x79: {  	[timem:s3], [sflag:s2] =	dma.local @!p0 [hbm:s0], s1  }
0x7a: {  	s0 =	simm.s32 @!p0 $0x1  }
0x7b: {  	_ =	swait.ge @!p0 [sflag:s0], s1  }
0x7c: {  	s1 =	ssub.s32 @!p0 $0x0, s1;
	[sflag:s0] =	ssyncset.done @!p0 $0x0  }
0x7d: {  	[sflag:s0] =	ssyncadd.s32 @!p0 s1  }
0x7e: {  	[bflag:$0x3] =	sbarrier.arrive $0xFFFF  }
0x7f: {  	_ =	shalt  }

// kernel: kernel.8.cloned.1.call-start
scs
__scs_entry_jumppad:
0x0: {  	(pc) =	sbr.rel $0x88, $3  }
0x1: {  	(tag) =	ssettag $0x0;
	lr =	simm.s32 $0x1  }
0x2: {  	[smem:$0x3F97] =	sst lr;
	_ =	strace $0xD0000000  }
0x3: {  	_ = 	snop  }
0x4: {  	_ = 	snop  }
0x5: {  	_ = 	snop  }
0x6: {  	_ = 	snop  }
0x7: {  	_ = 	snop  }
__scs_overlays_trampoline_lowered:
0x8: {  	[smem:$0x3FA6] =	sst s0  }
0x9: {  	[smem:$0x3FA7] =	sst s1  }
0xa: {  	[smem:$0x3FA8] =	sst s2  }
0xb: {  	[smem:$0x3FA9] =	sst s3  }
0xc: {  	[smem:$0x3FAA] =	sst s4  }
0xd: {  	[smem:$0x3FAB] =	sst s5  }
0xe: {  	[smem:$0x3FAC] =	sst s6  }
0xf: {  	[smem:$0x3FAD] =	sst s7  }
0x10: {  	[smem:$0x3FAE] =	sst s8  }
0x11: {  	[smem:$0x3FAF] =	sst s9;
	s0 =	simm.s32 @!p0 $0x0  }
0x12: {  	s1 =	sld [smem:$0x3F95];
	s0 =	simm.s32 @p0 $0x1  }
0x13: {  	[smem:$0x3FB0] =	sst s0;
	s0 =	simm.s32 @!p1 $0x0  }
0x14: {  	s2 =	sld [smem:$0x3F94];
	s0 =	simm.s32 @p1 $0x1  }
0x15: {  	[smem:$0x3FB1] =	sst s0;
	s0 =	simm.s32 @!p2 $0x0  }
0x16: {  	s3 =	sld [smem:$0x3FDB];
	s0 =	simm.s32 @p2 $0x1  }
0x17: {  	s4 =	simm.s32 $0x1BF5;
	[smem:$0x3FB3] =	sst s0  }
0x18: {  	s0 =	sld [smem:$0x3F96];
	_ =	swait.ge [sflag:s4], $0x0  }
0x19: {  	s7 =	sld [smem:$0x3F97]  }
0x1a: {  	s8 =	sadd.s32 $0xFFFFE003, lr  }
0x1b: {  	s9 =	sadd.s32 $0xFFFFFEF7, lr;
	s5 =	simm.s32 $0xFFFFFFFF;
	p2 =	slt.u32 s8, $0xFFFFF086  }
0x1c: {  	p1 =	slt.u32 s9, $0xF7A;
	s5 =	simm.s32 @!p2 $0x0  }
0x1d: {  	s5 =	simm.s32 @p1 $0x1;
	p0 =	seq.s32 s7, s2  }
0x1e: {  	s7 =	smul.u32 @!p0 $0xF7A, s2;
	p2 =	seq.s32 @!p0 s5, $0x0  }
0x1f: {  	s9 =	smul.u32 $0xF7A, s1;
	s8 =	simm.s32 @!p0 $0x1BF5;
	p2 =	por !p2, p0  }
0x20: {  	[sflag:s8] =	ssyncset.s32 @!p0 $0xFFFFF086;
	s6 =	sadd.s32 @!p0 s3, s7;
	s7 =	simm.s32 @!p0 $0x108  }
0x21: {  	s3 =	sadd.s32 s3, s9;
	s6 =	sadd.s32 @!p0 $0x88, s6;
	s7 =	simm.s32 @p2 $0x1082  }
0x22: {  	[simem:s7], [sflag:s8] =	dma.local @!p0 [hbm:s6], $0xF7A  }
0x23: {  	s9 =	sor.u32 $0xD0000000, s2;
	s6 =	simm.s32 $0x108;
	_ =	swait.ge @!p0 [sflag:s8], $0x0  }
0x24: {  	s3 =	sadd.s32 $0x88, s3;
	s6 =	simm.s32 @!p1 $0x1082;
	[sflag:s4] =	ssyncset.s32 $0xFFFFF086  }
0x25: {  	[simem:s6], [sflag:s4] =	dma.local [hbm:s3], $0xF7A  }
0x26: {  	[smem:$0x3F97] =	sst s1;
	(tag) =	ssettag s2;
	_ =	strace s9  }
0x27: {  	s1 =	sld [smem:$0x3FA7]  }
0x28: {  	s2 =	sld [smem:$0x3FA8]  }
0x29: {  	s4 =	sld [smem:$0x3FAA]  }
0x2a: {  	p0 =	seq.s32 s5, $0x0;
	s5 =	sld [smem:$0x3FAB]  }
0x2b: {  	s6 =	sld [smem:$0x3FAC]  }
0x2c: {  	s7 =	sld [smem:$0x3FAD]  }
0x2d: {  	s3 =	simm.s32 $0x108;
	s8 =	sld [smem:$0x3FAE]  }
0x2e: {  	s3 =	simm.s32 @!p0 $0x1082;
	s9 =	sld [smem:$0x3FAF]  }
0x2f: {  	lr =	sadd.s32 s0, s3;
	s0 =	sld [smem:$0x3FA6]  }
0x30: {  	s3 =	sld [smem:$0x3FA9]  }
0x31: {  	[smem:$0x3FB2] =	sst s10  }
0x32: {  	s10 =	sld [smem:$0x3FB0];
	_ =	sdelay $0x3  }
0x33: {  	p0 =	seq.s32 s10, $0x1;
	s10 =	sld [smem:$0x3FB2];
	_ =	sdelay $0x3  }
0x34: {  	[smem:$0x3FB2] =	sst s10  }
0x35: {  	s10 =	sld [smem:$0x3FB1];
	_ =	sdelay $0x3  }
0x36: {  	p1 =	seq.s32 s10, $0x1;
	s10 =	sld [smem:$0x3FB2];
	_ =	sdelay $0x3  }
0x37: {  	[smem:$0x3FB2] =	sst s10  }
0x38: {  	s10 =	sld [smem:$0x3FB3]  }
0x39: {  	_ = 	snop;
	(pc) =	sbr.ind lr, $3  }
0x3a: {  	_ = 	snop  }
0x3b: {  	_ = 	snop  }
0x3c: {  	p2 =	seq.s32 s10, $0x1;
	s10 =	sld [smem:$0x3FB2]  }
0x3d: {  	_ =	shalt  }
0x3e: {  	_ =	shalt  }
0x3f: {  	_ =	shalt  }
0x40: {  	_ =	shalt  }
0x41: {  	_ =	shalt  }
0x42: {  	_ =	shalt  }
0x43: {  	_ =	shalt  }
0x44: {  	_ =	shalt  }
0x45: {  	_ =	shalt  }
0x46: {  	_ =	shalt  }
0x47: {  	_ =	shalt  }
0x48: {  	_ =	shalt  }
0x49: {  	_ =	shalt  }
0x4a: {  	_ =	shalt  }
0x4b: {  	_ =	shalt  }
0x4c: {  	_ =	shalt  }
0x4d: {  	_ =	shalt  }
0x4e: {  	_ =	shalt  }
0x4f: {  	_ =	shalt  }
0x50: {  	_ =	shalt  }
0x51: {  	_ =	shalt  }
0x52: {  	_ =	shalt  }
0x53: {  	_ =	shalt  }
0x54: {  	_ =	shalt  }
0x55: {  	_ =	shalt  }
0x56: {  	_ =	shalt  }
0x57: {  	_ =	shalt  }
0x58: {  	_ =	shalt  }
0x59: {  	_ =	shalt  }
0x5a: {  	_ =	shalt  }
0x5b: {  	_ =	shalt  }
0x5c: {  	_ =	shalt  }
0x5d: {  	_ =	shalt  }
0x5e: {  	_ =	shalt  }
0x5f: {  	_ =	shalt  }
0x60: {  	_ =	shalt  }
0x61: {  	_ =	shalt  }
0x62: {  	_ =	shalt  }
0x63: {  	_ =	shalt  }
0x64: {  	_ =	shalt  }
0x65: {  	_ =	shalt  }
0x66: {  	_ =	shalt  }
0x67: {  	_ =	shalt  }
0x68: {  	_ =	shalt  }
0x69: {  	_ =	shalt  }
0x6a: {  	_ =	shalt  }
0x6b: {  	_ =	shalt  }
0x6c: {  	_ =	shalt  }
0x6d: {  	_ =	shalt  }
0x6e: {  	_ =	shalt  }
0x6f: {  	_ =	shalt  }
0x70: {  	_ =	shalt  }
0x71: {  	_ =	shalt  }
0x72: {  	_ =	shalt  }
0x73: {  	_ =	shalt  }
0x74: {  	_ =	shalt  }
0x75: {  	_ =	shalt  }
0x76: {  	_ =	shalt  }
0x77: {  	_ =	shalt  }
0x78: {  	_ =	shalt  }
0x79: {  	_ =	shalt  }
0x7a: {  	_ =	shalt  }
0x7b: {  	_ =	shalt  }
0x7c: {  	_ =	shalt  }
0x7d: {  	_ =	shalt  }
0x7e: {  	_ =	shalt  }
0x7f: {  	_ =	shalt  }
0x80: {  	_ =	shalt  }
0x81: {  	_ =	shalt  }
0x82: {  	_ =	shalt  }
0x83: {  	_ =	shalt  }
0x84: {  	_ =	shalt  }
0x85: {  	_ =	shalt  }
0x86: {  	_ =	shalt  }
0x87: {  	_ =	shalt  }
.Lfunc_end0:
.L_simem_size_0:
called_computation_lowered:
.L_overlay_start_0:
0x88: {  	s2 =	sld [smem:$0x3FD9]  }
0x89: {  	s3 =	sld [smem:$0x3FFE];
	_ =	sdelay $0x1  }
0x8a: {  	s1 =	srdreg.scid  }
0x8b: {  	s0 =	sand.u32 $0x1, s1  }
0x8c: {  	s17 =	sshll.u32 s0, $0xA;
	s2 =	sadd.s32 s3, s2  }
0x8d: {  	s2 =	sadd.s32 s2, s17  }
0x8e: {  	[smem:$0x3FBE] =	sst s2  }
0x8f: {  	_ = 	snop  }
0x90: {  	s2 =	sld [smem:$0x3FD0];
	(tm) =	ssettm $0x1  }
0x91: {  	s18 =	sld [smem:$0x3FFB];
	_ =	sdelay $0x3  }
0x92: {  	_ =	strace s18  }
0x93: {  	s3 =	sld [smem:$0x3FFC];
	_ =	sdelay $0x3  }
0x94: {  	_ =	strace s3  }
0x95: {  	s3 =	sld [smem:$0x3FFD];
	_ =	sdelay $0x3  }
0x96: {  	_ =	strace s3  }
0x97: {  	_ =	strace $0x8FFFFFFF  }
0x98: {  	s19 =	sld [smem:$0x3FDB];
	_ =	sdelay $0x1  }
0x99: {  	s4 =	simm.s32 $_scs_section_size  }
0x9a: {  	s5 =	simm.s32 $_size__tile_overlayer_lowered;
	s6 =	simm.s32 $_tile_overlayer_lowered  }
0x9b: {  	s22 =	simm.s32 $0x1BFF;
	s21 =	sshll.u32 s6, $0x1;
	s3 =	sadd.s32 s4, s19  }
0x9c: {  	s7 =	simm.s32 $0x0;
	s20 =	sshll.u32 s5, $0x1;
	s5 =	sadd.s32 s21, s3  }
0x9d: {  	[timem:s7], [sflag:s22] =	dma.local [hbm:s5], s20  }
0x9e: {  	_ =	swait.ge [sflag:s22], s20  }
0x9f: {  	s4 =	ssub.s32 $0x0, s20;
	[sflag:s22] =	ssyncset.done $0x0  }
0xa0: {  	[sflag:s22] =	ssyncadd.s32 s4;
	_ =	sdelay $0x1  }
0xa1: {  	s23 =	simm.s32 $0x1B8B  }
0xa2: {  	_ =	swait.ge [sflag:s23], $0x1  }
0xa3: {  	[sflag:s23] =	ssyncset.done $0x0  }
0xa4: {  	s25 =	simm.s32 $0x1B8E;
	s24 =	sld [smem:$0x3FFE];
	[sflag:s23] =	ssyncadd.s32 $0xFFFFFFFF  }
0xa5: {  	s26 =	simm.s32 $execute0_lowered;
	[smem:$0x3FD2] =	sst s25  }
0xa6: {  	s5 =	sshll.u32 s26, $0x1;
	_ =	strace $0x80000046;
	[dreg:$0x1] =	wrdreg $0xFFFFFFFF  }
0xa7: {  	s28 =	simm.s32 $_size_execute0_lowered;
	s3 =	sadd.s32 s3, s5;
	[dreg:$0x0] =	wrdreg $0x0  }
0xa8: {  	s5 =	sshll.u32 s28, $0x1;
	[dreg:$0x2] =	wrdreg s3  }
0xa9: {  	[dreg:$0x3] =	wrdreg s5  }
0xaa: {  	[dreg:$0x4] =	wrdreg $0xC0  }
0xab: {  	_ =	task [dreg:s7], $0x5FFFF  }
0xac: {  	[dreg:$0x1] =	wrdreg $0xFFFFFFFF  }
0xad: {  	[dreg:$0x0] =	wrdreg $0x60  }
0xae: {  	[dreg:$0x2] =	wrdreg s24  }
0xaf: {  	[dreg:$0x3] =	wrdreg s2  }
0xb0: {  	[dreg:$0x4] =	wrdreg $0x9  }
0xb1: {  	_ =	task.clear_ibuf [dreg:s7], $0x5FFFF;
	_ =	strace $0x90000046  }
0xb2: {  	s29 =	simm.s32 $0x9;
	_ =	strace $0x80000048  }
0xb3: {  	_ =	swait.ge [sflag:s29], $0x1  }
0xb4: {  	[sflag:s29] =	ssyncadd.s32 $0xFFFFFFFF  }
0xb5: {  	_ =	strace $0x90000048  }
0xb6: {  	_ =	sfence  }
0xb7: {  	s30 =	sld [smem:$0x0];
	_ =	sdelay $0x2  }
0xb8: {  	s31 =	sshll.u32 s1, $0xD;
	s1 =	sshrl.u32 s1, $0x2  }
0xb9: {  	s3 =	sand.u32 $0x4000, s31;
	s1 =	sadd.s32 s1, s30  }
0xba: {  	s0 =	sor.u32 s3, s0;
	s1 =	sshll.u32 s1, $0x11  }
0xbb: {  	s0 =	sor.u32 s1, s0  }
0xbc: {  	s0 =	sadd.s32 $0x8F2B, s0  }
0xbd: {  	[sflag:s0] =	ssyncadd.remote.s32 $0x1  }
0xbe: {  	_ =	sfence.sel $0xFFFF  }
0xbf: {  	[dreg:$0x0] =	wrdreg $0xFFFFFFFF;
	(pc) =	sbr.abs _section_cstart, $3  }
0xc0: {  	[dreg:$0x1] =	wrdreg $0xFFFFFFFF  }
0xc1: {  	_ =	task.clear_ibuf [dreg:s7], $0x2FFFF;
	_ =	strace $0x9FFFFFFF  }
0xc2: {  	(tm) =	ssettm $0x7FFFFFFF  }
0xc3: {  	_ =	shalt  }
tec
execute0_lowered:
.L_overlay_start_1:
0x0: {  	(tag) =	ssettag $0x1  }
0x1: {  	s5 =	rddreg [dreg:$0x0]  }
0x2: {  	s1 =	rddreg [dreg:$0x1]  }
0x3: {  	s0 =	rddreg [dreg:$0x2];
	s3 =	simm.s32 $0x0;
	s2 =	stileid.u32  }
0x4: {  	s8 =	srdreg.scid;
	[smem:$0x7FF] =	sst s3  }
0x5: {  	s6 =	sshll.u32 s2, $0x5;
	s7 =	smul.u32 $0x2400, s2;
	s4 =	sadd.s32 $0x83000, s5  }
0x6: {  	s8 =	sand.u32 $0x1, s8;
	s25 =	sshll.u32 s2, $0xA;
	_ =	strace $0x80000047  }
0x7: {  	s9 =	sadd.s32 s6, s5;
	s26 =	ssub.s32 $0x2, s8;
	s11 =	sshll.u32 s8, $0x9  }
0x8: {  	s30 =	smul.u32 $0x1200, s8;
	s8 =	sshll.u32 s8, $0x4;
	s10 =	sadd.s32 s7, s5  }
0x9: {  	s5 =	sadd.s32 s25, s5;
	s28 =	sshrl.u32 s26, $0x1;
	s31 =	sadd.s32 s8, s9  }
0xa: {  	s6 =	ssub.s32 s26, s28;
	s29 =	sadd.s32 s11, s5;
	s5 =	sshll.u32 s2, $0x1  }
0xb: {  	s10 =	sadd.s32 s30, s10;
	s9 =	sadd.s32 $0x8C00, s31;
	s6 =	smax.u32 s6, $0x1  }
0xc: {  	s7 =	sadd.s32 $0x659400, s29;
	s8 =	sadd.s32 $0xDB000, s10;
	s10 =	sadd.s32 $0x3C00, s31  }
.LBB2_1:
0xd: {  	p0 =	sgt.u32 s5, $0x4E1  }
0xe: {  	s11 =	sadd.s32 @!p0 $0x0, s10;
	s13 =	simm.s32 @!p0 $0x0;
	s15 =	simm.s32 @!p0 $0x2  }
0xf: {  	[tilespmem:s13], [sflag:$0x2] =	stream.linear.gather @!p0 [hbm4b:s11+s13], $0x80, $0x38;
	[tilespmem:$0xA100] =	vst v63  }
0x10: {  	_ =	swait.ge @!p0 [sflag:s15], $0x80;
	p0 =	por p0, p0  }
0x11: {  	[sflag:s15] =	ssyncset.done @!p0 $0x0  }
0x12: {  	s11 =	simm.s32 @!p0 $0x80;
	s12 =	simm.s32 @!p0 $0x100;
	[sflag:s15] =	ssyncadd.s32 @!p0 $0xFFFFFF80  }
0x13: {  	[tilespmem:s12], [sflag:$0x2] =	stream.indirect.gather @!p0 [hbm4b:s4+s11], $0x120, s13, s11, $0xb8;
	[tilespmem:$0xA100] =	vst v63  }
0x14: {  	_ =	swait.ge @!p0 [sflag:s15], $0x9000  }
0x15: {  	[sflag:s15] =	ssyncset.done @!p0 $0x0  }
0x16: {  	[sflag:s15] =	ssyncadd.s32 @!p0 $0xFFFF7000  }
0x17: {  	[hbm4b:s8+s13] =	stream.linear.scatter @!p0 [tilespmem:s12], [sflag:$0x2], $0x9000, $0x38;
	[tilespmem:$0xA100] =	vst v63  }
0x18: {  	_ =	swait.ge @!p0 [sflag:s15], $0x9000  }
0x19: {  	[sflag:s15] =	ssyncset.done @!p0 $0x0  }
0x1a: {  	s12 =	sadd.s32 @!p0 $0x0, s9;
	[sflag:s15] =	ssyncadd.s32 @!p0 $0xFFFF7000  }
0x1b: {  	[tilespmem:s11], [sflag:$0x2] =	stream.linear.gather @!p0 [hbm4b:s12+s13], $0x80, $0x38;
	[tilespmem:$0xA100] =	vst v63  }
0x1c: {  	_ =	swait.ge @!p0 [sflag:s15], $0x80  }
0x1d: {  	[sflag:s15] =	ssyncset.done @!p0 $0x0  }
0x1e: {  	s16 =	simm.s32 @!p0 $0x9100;
	[sflag:s15] =	ssyncadd.s32 @!p0 $0xFFFFFF80  }
0x1f: {  	[tilespmem:s16], [sflag:$0x2] =	stream.indirect.gather @!p0 [hbm4b:s1+s11], $0x20, s11, s11, $0xb8;
	[tilespmem:$0xA100] =	vst v63  }
0x20: {  	_ =	swait.ge @!p0 [sflag:s15], $0x1000  }
0x21: {  	[sflag:s15] =	ssyncset.done @!p0 $0x0  }
0x22: {  	s14 =	simm.s32 $0x400;
	s12 =	simm.s32 $0x200;
	[sflag:s15] =	ssyncadd.s32 @!p0 $0xFFFFF000  }
0x23: {  	[hbm4b:s7+s13] =	stream.linear.scatter @!p0 [tilespmem:s16], [sflag:$0x1], $0x1000, $0x38;
	[tilespmem:$0xA100] =	vst v63  }
0x24: {  	s11 =	sadd.s32 $0x4000, s7;
	s15 =	sadd.s32 $0x20, s5;
	s16 =	simm.s32 @!p0 $0x1  }
0x25: {  	s13 =	sadd.s32 $0x24000, s8;
	p2 =	sgt.u32 s15, $0x4E1;
	_ =	swait.ge @!p0 [sflag:s16], $0x1000  }
.LBB2_2:
0x26: {  	s17 =	sadd.s32 @!p2 s12, s10  }
0x27: {  	s18 =	simm.s32 @!p2 $0x0;
	[sflag:s16] =	ssyncset.done @!p0 $0x0;
	s19 =	smov.u32 s14  }
0x28: {  	s14 =	sadd.s32 $0x200, s14;
	s20 =	simm.s32 @!p2 $0x2;
	[sflag:s16] =	ssyncadd.s32 @!p0 $0xFFFFF000  }
0x29: {  	[tilespmem:s18], [sflag:$0x2] =	stream.linear.gather @!p2 [hbm4b:s17+s18], $0x80, $0x38;
	[tilespmem:$0xA100] =	vst v63  }
0x2a: {  	p1 =	sne.s32 s14, $0x5000;
	p0 =	por p2, p2;
	_ =	swait.ge @!p2 [sflag:s20], $0x80  }
0x2b: {  	[sflag:s20] =	ssyncset.done @!p0 $0x0  }
0x2c: {  	s16 =	simm.s32 @!p0 $0x80;
	s17 =	simm.s32 @!p0 $0x100;
	[sflag:s20] =	ssyncadd.s32 @!p0 $0xFFFFFF80  }
0x2d: {  	[tilespmem:s17], [sflag:$0x2] =	stream.indirect.gather @!p0 [hbm4b:s4+s16], $0x120, s18, s16, $0xb8;
	[tilespmem:$0xA100] =	vst v63  }
0x2e: {  	_ =	swait.ge @!p0 [sflag:s20], $0x9000  }
0x2f: {  	[sflag:s20] =	ssyncset.done @!p0 $0x0  }
0x30: {  	[sflag:s20] =	ssyncadd.s32 @!p0 $0xFFFF7000  }
0x31: {  	[hbm4b:s13+s18] =	stream.linear.scatter @!p0 [tilespmem:s17], [sflag:$0x2], $0x9000, $0x38;
	[tilespmem:$0xA100] =	vst v63  }
0x32: {  	_ =	swait.ge @!p0 [sflag:s20], $0x9000  }
0x33: {  	[sflag:s20] =	ssyncset.done @!p0 $0x0  }
0x34: {  	s17 =	sadd.s32 @!p0 s12, s9;
	s12 =	smov.u32 s19;
	[sflag:s20] =	ssyncadd.s32 @!p0 $0xFFFF7000  }
0x35: {  	[tilespmem:s16], [sflag:$0x2] =	stream.linear.gather @!p0 [hbm4b:s17+s18], $0x80, $0x38;
	[tilespmem:$0xA100] =	vst v63  }
0x36: {  	_ =	swait.ge @!p0 [sflag:s20], $0x80  }
0x37: {  	[sflag:s20] =	ssyncset.done @!p0 $0x0  }
0x38: {  	s17 =	simm.s32 @!p0 $0x9100;
	[sflag:s20] =	ssyncadd.s32 @!p0 $0xFFFFFF80  }
0x39: {  	[tilespmem:s17], [sflag:$0x2] =	stream.indirect.gather @!p0 [hbm4b:s1+s16], $0x20, s16, s16, $0xb8;
	[tilespmem:$0xA100] =	vst v63  }
.Ltmp0:
0x3a: {  	_ =	swait.ge @!p0 [sflag:s20], $0x1000;
	(pc) =	sbr.rel @p1 .LBB2_2-.Ltmp0, $4  }
0x3b: {  	s13 =	sadd.s32 $0x24000, s13;
	[sflag:s20] =	ssyncset.done @!p0 $0x0  }
0x3c: {  	s15 =	sadd.s32 $0x20, s15;
	s16 =	simm.s32 @!p0 $0x1;
	[sflag:s20] =	ssyncadd.s32 @!p0 $0xFFFFF000  }
0x3d: {  	[hbm4b:s11+s18] =	stream.linear.scatter @!p0 [tilespmem:s17], [sflag:$0x1], $0x1000, $0x38;
	[tilespmem:$0xA100] =	vst v63  }
0x3e: {  	p2 =	sgt.u32 s15, $0x4E1;
	s11 =	sadd.s32 $0x4000, s11;
	_ =	swait.ge @!p0 [sflag:s16], $0x1000  }
0x3f: {  	s14 =	sadd.s32 @!p2 s12, s10;
	[sflag:s16] =	ssyncset.done @!p0 $0x0  }
0x40: {  	s15 =	simm.s32 @!p2 $0x0;
	s17 =	simm.s32 @!p2 $0x2;
	[sflag:s16] =	ssyncadd.s32 @!p0 $0xFFFFF000  }
0x41: {  	[tilespmem:s15], [sflag:$0x2] =	stream.linear.gather @!p2 [hbm4b:s14+s15], $0x80, $0x38;
	[tilespmem:$0xA100] =	vst v63  }
0x42: {  	p0 =	por p2, p2;
	_ =	swait.ge @!p2 [sflag:s17], $0x80  }
0x43: {  	[sflag:s17] =	ssyncset.done @!p0 $0x0  }
0x44: {  	s14 =	simm.s32 @!p0 $0x80;
	s16 =	simm.s32 @!p0 $0x100;
	[sflag:s17] =	ssyncadd.s32 @!p0 $0xFFFFFF80  }
0x45: {  	[tilespmem:s16], [sflag:$0x2] =	stream.indirect.gather @!p0 [hbm4b:s4+s14], $0x120, s15, s14, $0xb8;
	[tilespmem:$0xA100] =	vst v63  }
0x46: {  	_ =	swait.ge @!p0 [sflag:s17], $0x9000  }
0x47: {  	[sflag:s17] =	ssyncset.done @!p0 $0x0  }
0x48: {  	[sflag:s17] =	ssyncadd.s32 @!p0 $0xFFFF7000  }
0x49: {  	[hbm4b:s13+s15] =	stream.linear.scatter @!p0 [tilespmem:s16], [sflag:$0x2], $0x9000, $0x38;
	[tilespmem:$0xA100] =	vst v63  }
0x4a: {  	_ =	swait.ge @!p0 [sflag:s17], $0x9000  }
0x4b: {  	[sflag:s17] =	ssyncset.done @!p0 $0x0  }
0x4c: {  	s12 =	sadd.s32 @!p0 s12, s9;
	[sflag:s17] =	ssyncadd.s32 @!p0 $0xFFFF7000  }
0x4d: {  	[tilespmem:s14], [sflag:$0x2] =	stream.linear.gather @!p0 [hbm4b:s12+s15], $0x80, $0x38;
	[tilespmem:$0xA100] =	vst v63  }
0x4e: {  	_ =	swait.ge @!p0 [sflag:s17], $0x80  }
0x4f: {  	[sflag:s17] =	ssyncset.done @!p0 $0x0  }
0x50: {  	s12 =	simm.s32 @!p0 $0x9100;
	[sflag:s17] =	ssyncadd.s32 @!p0 $0xFFFFFF80  }
0x51: {  	[tilespmem:s12], [sflag:$0x2] =	stream.indirect.gather @!p0 [hbm4b:s1+s14], $0x20, s14, s14, $0xb8;
	[tilespmem:$0xA100] =	vst v63  }
0x52: {  	s3 =	sadd.s32 $0x1, s3;
	_ =	swait.ge @!p0 [sflag:s17], $0x1000  }
0x53: {  	p1 =	sne.s32 s3, s6;
	[sflag:s17] =	ssyncset.done @!p0 $0x0  }
.Ltmp1:
0x54: {  	s13 =	simm.s32 @!p0 $0x1;
	[sflag:s17] =	ssyncadd.s32 @!p0 $0xFFFFF000;
	(pc) =	sbr.rel @p1 .LBB2_1-.Ltmp1, $4  }
0x55: {  	[hbm4b:s11+s15] =	stream.linear.scatter @!p0 [tilespmem:s12], [sflag:$0x1], $0x1000, $0x38;
	[tilespmem:$0xA100] =	vst v63  }
0x56: {  	_ =	swait.ge @!p0 [sflag:s13], $0x1000  }
0x57: {  	[sflag:s13] =	ssyncset.done @!p0 $0x0  }
0x58: {  	[sflag:s13] =	ssyncadd.s32 @!p0 $0xFFFFF000  }
0x59: {  	_ =	sfence.sel $0x180000  }
0x5a: {  	[bflag:$0x0] =	sbarrier.arrive $0xFFFF  }
0x5b: {  	p0 =	sne.s32 s2, $0x0;
	_ =	strace $0x90000047  }
0x5c: {  	s0 =	sadd.s32 @!p0 $0x100000, s0;
	[bflag:$0x2] =	sbarrier.arrive $0xFFFF  }
0x5d: {  	[sflag:s0] =	ssyncadd.tile.s32 @!p0 $0x1;
	_ =	shalt  }
.Lfunc_end2:
_tile_overlayer_lowered:
.L_overlay_start_2:
0x5e: {  	(tag) =	ssettag $0x2  }
0x5f: {  	s0 =	rddreg [dreg:$0x0];
	s2 =	stileid.u32  }
0x60: {  	s1 =	rddreg [dreg:$0x1];
	p0 =	sne.s32 s2, $0x0  }
0x61: {  	s3 =	rddreg [dreg:$0x2];
	[bflag:$0x3] =	sbarrier.arrive $0xFFFF;
	s2 =	simm.s32 @!p0 $0x1C01  }
0x62: {  	[timem:s3], [sflag:s2] =	dma.local @!p0 [hbm:s0], s1  }
0x63: {  	s0 =	simm.s32 @!p0 $0x1  }
0x64: {  	_ =	swait.ge @!p0 [sflag:s0], s1  }
0x65: {  	s1 =	ssub.s32 @!p0 $0x0, s1;
	[sflag:s0] =	ssyncset.done @!p0 $0x0  }
0x66: {  	[sflag:s0] =	ssyncadd.s32 @!p0 s1  }
0x67: {  	[bflag:$0x3] =	sbarrier.arrive $0xFFFF  }
0x68: {  	_ =	shalt  }

</sc_bundles>
